<compile_context>
chip_gen: v7x
topology: tpu7x:2x2x1
jax: 0.10.2.dev20260603
libtpu: 0.0.44.dev20260713+nightly
codegen_flags: <defaults>
</compile_context>

<pallas_src>
import functools

import jax
import jax.numpy as jnp
from jax import lax
from jax.experimental import pallas as pl
from jax.experimental.pallas import tpu as pltpu
from jax.experimental.pallas import tpu_sc as plsc

BATCH = 4096
MAXLEN = 200
EMBED = 64

_info = plsc.get_sparse_core_info()
NC = _info.num_cores
NS = _info.num_subcores
LANES = _info.num_lanes
NW = NC * NS
BATCH_PER_W = BATCH // NW
BB = 4
NCHUNKS = BATCH_PER_W // BB
GROUPS = [(off, min(128, MAXLEN - off)) for off in range(0, MAXLEN, 128)]
JVECS = EMBED // LANES


def _tec_body(idx_hbm, table_hbm, pos_hbm, out_hbm,
              pos_v, idx0, idx1, buf0, buf1, sem, wsem):
    wid = lax.axis_index("s") * NC + lax.axis_index("c")
    wbase = wid * BATCH_PER_W

    pltpu.sync_copy(pos_hbm, pos_v)

    def load_and_fire(g, idxb, buf):
        pltpu.sync_copy(idx_hbm.at[pl.ds(wbase + g * BB, BB)], idxb)
        for b in range(BB):
            for off, sz in GROUPS:
                pltpu.async_copy(table_hbm.at[idxb.at[b, pl.ds(off, sz)]],
                                 buf.at[b, pl.ds(off, sz)], sem)

    def drain(buf):
        for b in range(BB):
            for off, sz in GROUPS:
                pltpu.make_async_copy(table_hbm.at[pl.ds(0, sz)],
                                      buf.at[b, pl.ds(off, sz)], sem).wait()

    def add_pos(buf):
        def body(r, c):
            for j in range(JVECS):
                p = pos_v[r, pl.ds(j * LANES, LANES)]
                for b in range(BB):
                    plsc.addupdate(buf.at[b, r, pl.ds(j * LANES, LANES)], p)
            return c
        lax.fori_loop(0, MAXLEN, body, 0)

    def wait_wb(buf, g):
        pltpu.make_async_copy(buf, out_hbm.at[pl.ds(wbase + g * BB, BB)],
                              wsem).wait()

    load_and_fire(0, idx0, buf0)

    def outer(i, c):
        for half in range(2):
            g = 2 * i + half
            idxb, buf = (idx0, buf0) if half == 0 else (idx1, buf1)
            nidx, nbuf = (idx1, buf1) if half == 0 else (idx0, buf0)
            drain(buf)

            @pl.when(g + 1 < NCHUNKS)
            def _():
                @pl.when(g >= 1)
                def _():
                    wait_wb(nbuf, g - 1)
                load_and_fire(g + 1, nidx, nbuf)

            add_pos(buf)
            pltpu.async_copy(buf, out_hbm.at[pl.ds(wbase + g * BB, BB)], wsem)
        return c

    lax.fori_loop(0, NCHUNKS // 2, outer, 0)
    wait_wb(buf0, NCHUNKS - 2)
    wait_wb(buf1, NCHUNKS - 1)


_emb_call = functools.partial(
    pl.kernel,
    out_type=jax.ShapeDtypeStruct((BATCH, MAXLEN, EMBED), jnp.float32),
    mesh=plsc.VectorSubcoreMesh(core_axis_name="c", subcore_axis_name="s"),
    compiler_params=pltpu.CompilerParams(use_tc_tiling_on_sc=False),
    scratch_types=[
        pltpu.VMEM((MAXLEN, EMBED), jnp.float32),
        pltpu.VMEM((BB, MAXLEN), jnp.int32),
        pltpu.VMEM((BB, MAXLEN), jnp.int32),
        pltpu.VMEM((BB, MAXLEN, EMBED), jnp.float32),
        pltpu.VMEM((BB, MAXLEN, EMBED), jnp.float32),
        pltpu.SemaphoreType.DMA,
        pltpu.SemaphoreType.DMA,
    ],
)(_tec_body)


def kernel(inputs, token_emb, pos_emb):
    return _emb_call(inputs.astype(jnp.int32), token_emb, pos_emb)

# --- scband reference (transcript-rebuilt; emitter-appended) ---
"""Pipeline reference for scband-token-and-position-embedding-16037407883637 (READ-ONLY COPY).

The authoritative reference and input builder live on the scoring server;
editing this copy changes nothing except your own understanding.
"""

import jax, jax.numpy as jnp
import numpy as np

VOCAB = 1000000
MAXLEN = 200
EMBED = 64
BATCH = 4096

def setup_inputs(seed: int = 0) -> dict:
    key = jax.random.key(seed)
    k1, k2, k3 = jax.random.split(key, 3)
    inputs = jax.random.randint(k1, (BATCH, MAXLEN), 0, VOCAB, dtype=jnp.int64 if jax.config.jax_enable_x64 else jnp.int32)
    token_emb = jax.random.normal(k2, (VOCAB, EMBED), dtype=jnp.float32) * 0.02
    pos_emb = jax.random.normal(k3, (MAXLEN, EMBED), dtype=jnp.float32) * 0.02
    return {"inputs": inputs, "token_emb": token_emb, "pos_emb": pos_emb}

def reference(inputs, token_emb, pos_emb):
    # maxlen taken from input's last dim, as in the Keras layer
    maxlen = inputs.shape[-1]
    positions = jnp.arange(0, maxlen)
    pos = jnp.take(pos_emb, positions, axis=0)          # [maxlen, embed]
    x = jnp.take(token_emb, inputs, axis=0)             # [batch, maxlen, embed]
    return x + pos[None, :, :]

if __name__ == "__main__":
    import jax
    _d = setup_inputs()
    print(jax.jit(kernel)(*tuple(_d.values())))

</pallas_src>

<mosaic_0001>
#map = affine_map<(d0, d1) -> (0, 0)>
#map1 = affine_map<(d0, d1) -> (0, 0, 0)>
module attributes {stable_mosaic.version = 14 : i64} {
  func.func @_tec_body(%arg0: i32, %arg1: i32, %arg2: memref<4096x200xi32, #tpu.memory_space<hbm>>, %arg3: memref<1000000x64xf32, #tpu.memory_space<hbm>>, %arg4: memref<200x64xf32, #tpu.memory_space<hbm>>, %arg5: memref<4096x200x64xf32, #tpu.memory_space<hbm>>, %arg6: memref<200x64xf32, #tpu.memory_space<vmem>>, %arg7: memref<4x200xi32, #tpu.memory_space<vmem>>, %arg8: memref<4x200xi32, #tpu.memory_space<vmem>>, %arg9: memref<4x200x64xf32, #tpu.memory_space<vmem>>, %arg10: memref<4x200x64xf32, #tpu.memory_space<vmem>>, %arg11: memref<!tpu.dma_semaphore, #tpu.memory_space<semaphore_mem>>, %arg12: memref<!tpu.dma_semaphore, #tpu.memory_space<semaphore_mem>>) attributes {dimension_semantics = [#tpu.dimension_semantics<core_parallel>, #tpu.dimension_semantics<subcore_parallel>], iteration_bounds = array<i64: 2, 16>, scalar_prefetch = 0 : i64, scratch_operands = 7 : i64, tpu.core_type = #tpu.core_type<sc_vector_subcore>, window_params = [{transform_indices = #map}, {transform_indices = #map}, {transform_indices = #map}, {transform_indices = #map1}]} {
    %mul3A = arith.constant 2 : i32
    %mul3A_0 = arith.muli %arg1, %mul3A : i32
    %add3A = arith.addi %mul3A_0, %arg0 : i32
    %mul3A_1 = arith.constant 128 : i32
    %mul3A_2 = arith.muli %add3A, %mul3A_1 : i32
    "tpu.region"() ({
      %run_scoped3A = tpu.sem_alloc : memref<!tpu.dma_semaphore, #tpu.memory_space<semaphore_mem>>
      tpu.enqueue_dma source(%arg4 : memref<200x64xf32, #tpu.memory_space<hbm>>) target(%arg6 : memref<200x64xf32, #tpu.memory_space<vmem>>) target_semaphore(%run_scoped3A : memref<!tpu.dma_semaphore, #tpu.memory_space<semaphore_mem>>)
      tpu.wait_dma2 semaphore(%run_scoped3A : memref<!tpu.dma_semaphore, #tpu.memory_space<semaphore_mem>>) src(%arg4 : memref<200x64xf32, #tpu.memory_space<hbm>>) dst(%arg6 : memref<200x64xf32, #tpu.memory_space<vmem>>)
      tpu.yield
    }) : () -> ()
    %add3A_3 = arith.constant 0 : i32
    %add3A_4 = arith.addi %mul3A_2, %add3A_3 : i32
    "tpu.region"() ({
      %run_scoped3A = tpu.sem_alloc : memref<!tpu.dma_semaphore, #tpu.memory_space<semaphore_mem>>
      %dma_start3A_120 = arith.constant 0 : i32
      %dma_start3A_121 = tpu.memref_slice %arg2[%add3A_4, %dma_start3A_120] : memref<4096x200xi32, #tpu.memory_space<hbm>> -> memref<4x200xi32, #tpu.memory_space<hbm>>
      %dma_start3A_122 = arith.constant 0 : i32
      %dma_start3A_123 = tpu.memref_slice %arg2[%add3A_4, %dma_start3A_122] : memref<4096x200xi32, #tpu.memory_space<hbm>> -> memref<4x200xi32, #tpu.memory_space<hbm>>
      tpu.enqueue_dma source(%dma_start3A_123 : memref<4x200xi32, #tpu.memory_space<hbm>>) target(%arg7 : memref<4x200xi32, #tpu.memory_space<vmem>>) target_semaphore(%run_scoped3A : memref<!tpu.dma_semaphore, #tpu.memory_space<semaphore_mem>>)
      %dma_wait3A_124 = arith.constant 0 : i32
      %dma_wait3A_125 = tpu.memref_slice %arg2[%add3A_4, %dma_wait3A_124] : memref<4096x200xi32, #tpu.memory_space<hbm>> -> memref<4x200xi32, #tpu.memory_space<hbm>>
      %dma_wait3A_126 = arith.constant 0 : i32
      %dma_wait3A_127 = tpu.memref_slice %arg2[%add3A_4, %dma_wait3A_126] : memref<4096x200xi32, #tpu.memory_space<hbm>> -> memref<4x200xi32, #tpu.memory_space<hbm>>
      tpu.wait_dma2 semaphore(%run_scoped3A : memref<!tpu.dma_semaphore, #tpu.memory_space<semaphore_mem>>) src(%dma_wait3A_127 : memref<4x200xi32, #tpu.memory_space<hbm>>) dst(%arg7 : memref<4x200xi32, #tpu.memory_space<vmem>>)
      tpu.yield
    }) : () -> ()
    %dma_start3A = arith.constant 0 : i32
    %dma_start3A_5 = arith.constant 0 : i32
    %dma_start3A_6 = arith.constant 0 : i32
    %dma_start3A_7 = arith.constant 0 : i32
    %dma_start3A_8 = tpu.memref_slice %arg9[%dma_start3A_5, %dma_start3A_6, %dma_start3A_7] : memref<4x200x64xf32, #tpu.memory_space<vmem>> -> memref<1x128x64xf32, #tpu.memory_space<vmem>>
    %dma_start3A_9 = tpu.memref_squeeze %dma_start3A_8 : memref<1x128x64xf32, #tpu.memory_space<vmem>> -> memref<128x64xf32, #tpu.memory_space<vmem>>
    %dma_start3A_10 = arith.constant 0 : i32
    %dma_start3A_11 = tpu.memref_slice %arg7[%dma_start3A, %dma_start3A_10] : memref<4x200xi32, #tpu.memory_space<vmem>> -> memref<1x128xi32, #tpu.memory_space<vmem>>
    %dma_start3A_12 = tpu.memref_squeeze %dma_start3A_11 : memref<1x128xi32, #tpu.memory_space<vmem>> -> memref<128xi32, #tpu.memory_space<vmem>>
    %dma_start3A_13 = arith.constant 0 : i32
    %dma_start3A_14 = arith.constant 0 : i32
    %dma_start3A_15 = tpu.memref_slice %arg3[%dma_start3A_13, %dma_start3A_14] : memref<1000000x64xf32, #tpu.memory_space<hbm>> -> memref<1000000x64xf32, #tpu.memory_space<hbm>>
    tpu.enqueue_indirect_dma source(%dma_start3A_15 : memref<1000000x64xf32, #tpu.memory_space<hbm>>) target(%dma_start3A_9 : memref<128x64xf32, #tpu.memory_space<vmem>>) offsets(%dma_start3A_12 : memref<128xi32, #tpu.memory_space<vmem>>) semaphore(%arg11 : memref<!tpu.dma_semaphore, #tpu.memory_space<semaphore_mem>>)
    %dma_start3A_16 = arith.constant 0 : i32
    %dma_start3A_17 = arith.constant 0 : i32
    %dma_start3A_18 = arith.constant 128 : i32
    %dma_start3A_19 = arith.constant 0 : i32
    %dma_start3A_20 = tpu.memref_slice %arg9[%dma_start3A_17, %dma_start3A_18, %dma_start3A_19] : memref<4x200x64xf32, #tpu.memory_space<vmem>> -> memref<1x72x64xf32, #tpu.memory_space<vmem>>
    %dma_start3A_21 = tpu.memref_squeeze %dma_start3A_20 : memref<1x72x64xf32, #tpu.memory_space<vmem>> -> memref<72x64xf32, #tpu.memory_space<vmem>>
    %dma_start3A_22 = arith.constant 128 : i32
    %dma_start3A_23 = tpu.memref_slice %arg7[%dma_start3A_16, %dma_start3A_22] : memref<4x200xi32, #tpu.memory_space<vmem>> -> memref<1x72xi32, #tpu.memory_space<vmem>>
    %dma_start3A_24 = tpu.memref_squeeze %dma_start3A_23 : memref<1x72xi32, #tpu.memory_space<vmem>> -> memref<72xi32, #tpu.memory_space<vmem>>
    %dma_start3A_25 = arith.constant 0 : i32
    %dma_start3A_26 = arith.constant 0 : i32
    %dma_start3A_27 = tpu.memref_slice %arg3[%dma_start3A_25, %dma_start3A_26] : memref<1000000x64xf32, #tpu.memory_space<hbm>> -> memref<1000000x64xf32, #tpu.memory_space<hbm>>
    tpu.enqueue_indirect_dma source(%dma_start3A_27 : memref<1000000x64xf32, #tpu.memory_space<hbm>>) target(%dma_start3A_21 : memref<72x64xf32, #tpu.memory_space<vmem>>) offsets(%dma_start3A_24 : memref<72xi32, #tpu.memory_space<vmem>>) semaphore(%arg11 : memref<!tpu.dma_semaphore, #tpu.memory_space<semaphore_mem>>)
    %dma_start3A_28 = arith.constant 1 : i32
    %dma_start3A_29 = arith.constant 1 : i32
    %dma_start3A_30 = arith.constant 0 : i32
    %dma_start3A_31 = arith.constant 0 : i32
    %dma_start3A_32 = tpu.memref_slice %arg9[%dma_start3A_29, %dma_start3A_30, %dma_start3A_31] : memref<4x200x64xf32, #tpu.memory_space<vmem>> -> memref<1x128x64xf32, #tpu.memory_space<vmem>>
    %dma_start3A_33 = tpu.memref_squeeze %dma_start3A_32 : memref<1x128x64xf32, #tpu.memory_space<vmem>> -> memref<128x64xf32, #tpu.memory_space<vmem>>
    %dma_start3A_34 = arith.constant 0 : i32
    %dma_start3A_35 = tpu.memref_slice %arg7[%dma_start3A_28, %dma_start3A_34] : memref<4x200xi32, #tpu.memory_space<vmem>> -> memref<1x128xi32, #tpu.memory_space<vmem>>
    %dma_start3A_36 = tpu.memref_squeeze %dma_start3A_35 : memref<1x128xi32, #tpu.memory_space<vmem>> -> memref<128xi32, #tpu.memory_space<vmem>>
    %dma_start3A_37 = arith.constant 0 : i32
    %dma_start3A_38 = arith.constant 0 : i32
    %dma_start3A_39 = tpu.memref_slice %arg3[%dma_start3A_37, %dma_start3A_38] : memref<1000000x64xf32, #tpu.memory_space<hbm>> -> memref<1000000x64xf32, #tpu.memory_space<hbm>>
    tpu.enqueue_indirect_dma source(%dma_start3A_39 : memref<1000000x64xf32, #tpu.memory_space<hbm>>) target(%dma_start3A_33 : memref<128x64xf32, #tpu.memory_space<vmem>>) offsets(%dma_start3A_36 : memref<128xi32, #tpu.memory_space<vmem>>) semaphore(%arg11 : memref<!tpu.dma_semaphore, #tpu.memory_space<semaphore_mem>>)
    %dma_start3A_40 = arith.constant 1 : i32
    %dma_start3A_41 = arith.constant 1 : i32
    %dma_start3A_42 = arith.constant 128 : i32
    %dma_start3A_43 = arith.constant 0 : i32
    %dma_start3A_44 = tpu.memref_slice %arg9[%dma_start3A_41, %dma_start3A_42, %dma_start3A_43] : memref<4x200x64xf32, #tpu.memory_space<vmem>> -> memref<1x72x64xf32, #tpu.memory_space<vmem>>
    %dma_start3A_45 = tpu.memref_squeeze %dma_start3A_44 : memref<1x72x64xf32, #tpu.memory_space<vmem>> -> memref<72x64xf32, #tpu.memory_space<vmem>>
    %dma_start3A_46 = arith.constant 128 : i32
    %dma_start3A_47 = tpu.memref_slice %arg7[%dma_start3A_40, %dma_start3A_46] : memref<4x200xi32, #tpu.memory_space<vmem>> -> memref<1x72xi32, #tpu.memory_space<vmem>>
    %dma_start3A_48 = tpu.memref_squeeze %dma_start3A_47 : memref<1x72xi32, #tpu.memory_space<vmem>> -> memref<72xi32, #tpu.memory_space<vmem>>
    %dma_start3A_49 = arith.constant 0 : i32
    %dma_start3A_50 = arith.constant 0 : i32
    %dma_start3A_51 = tpu.memref_slice %arg3[%dma_start3A_49, %dma_start3A_50] : memref<1000000x64xf32, #tpu.memory_space<hbm>> -> memref<1000000x64xf32, #tpu.memory_space<hbm>>
    tpu.enqueue_indirect_dma source(%dma_start3A_51 : memref<1000000x64xf32, #tpu.memory_space<hbm>>) target(%dma_start3A_45 : memref<72x64xf32, #tpu.memory_space<vmem>>) offsets(%dma_start3A_48 : memref<72xi32, #tpu.memory_space<vmem>>) semaphore(%arg11 : memref<!tpu.dma_semaphore, #tpu.memory_space<semaphore_mem>>)
    %dma_start3A_52 = arith.constant 2 : i32
    %dma_start3A_53 = arith.constant 2 : i32
    %dma_start3A_54 = arith.constant 0 : i32
    %dma_start3A_55 = arith.constant 0 : i32
    %dma_start3A_56 = tpu.memref_slice %arg9[%dma_start3A_53, %dma_start3A_54, %dma_start3A_55] : memref<4x200x64xf32, #tpu.memory_space<vmem>> -> memref<1x128x64xf32, #tpu.memory_space<vmem>>
    %dma_start3A_57 = tpu.memref_squeeze %dma_start3A_56 : memref<1x128x64xf32, #tpu.memory_space<vmem>> -> memref<128x64xf32, #tpu.memory_space<vmem>>
    %dma_start3A_58 = arith.constant 0 : i32
    %dma_start3A_59 = tpu.memref_slice %arg7[%dma_start3A_52, %dma_start3A_58] : memref<4x200xi32, #tpu.memory_space<vmem>> -> memref<1x128xi32, #tpu.memory_space<vmem>>
    %dma_start3A_60 = tpu.memref_squeeze %dma_start3A_59 : memref<1x128xi32, #tpu.memory_space<vmem>> -> memref<128xi32, #tpu.memory_space<vmem>>
    %dma_start3A_61 = arith.constant 0 : i32
    %dma_start3A_62 = arith.constant 0 : i32
    %dma_start3A_63 = tpu.memref_slice %arg3[%dma_start3A_61, %dma_start3A_62] : memref<1000000x64xf32, #tpu.memory_space<hbm>> -> memref<1000000x64xf32, #tpu.memory_space<hbm>>
    tpu.enqueue_indirect_dma source(%dma_start3A_63 : memref<1000000x64xf32, #tpu.memory_space<hbm>>) target(%dma_start3A_57 : memref<128x64xf32, #tpu.memory_space<vmem>>) offsets(%dma_start3A_60 : memref<128xi32, #tpu.memory_space<vmem>>) semaphore(%arg11 : memref<!tpu.dma_semaphore, #tpu.memory_space<semaphore_mem>>)
    %dma_start3A_64 = arith.constant 2 : i32
    %dma_start3A_65 = arith.constant 2 : i32
    %dma_start3A_66 = arith.constant 128 : i32
    %dma_start3A_67 = arith.constant 0 : i32
    %dma_start3A_68 = tpu.memref_slice %arg9[%dma_start3A_65, %dma_start3A_66, %dma_start3A_67] : memref<4x200x64xf32, #tpu.memory_space<vmem>> -> memref<1x72x64xf32, #tpu.memory_space<vmem>>
    %dma_start3A_69 = tpu.memref_squeeze %dma_start3A_68 : memref<1x72x64xf32, #tpu.memory_space<vmem>> -> memref<72x64xf32, #tpu.memory_space<vmem>>
    %dma_start3A_70 = arith.constant 128 : i32
    %dma_start3A_71 = tpu.memref_slice %arg7[%dma_start3A_64, %dma_start3A_70] : memref<4x200xi32, #tpu.memory_space<vmem>> -> memref<1x72xi32, #tpu.memory_space<vmem>>
    %dma_start3A_72 = tpu.memref_squeeze %dma_start3A_71 : memref<1x72xi32, #tpu.memory_space<vmem>> -> memref<72xi32, #tpu.memory_space<vmem>>
    %dma_start3A_73 = arith.constant 0 : i32
    %dma_start3A_74 = arith.constant 0 : i32
    %dma_start3A_75 = tpu.memref_slice %arg3[%dma_start3A_73, %dma_start3A_74] : memref<1000000x64xf32, #tpu.memory_space<hbm>> -> memref<1000000x64xf32, #tpu.memory_space<hbm>>
    tpu.enqueue_indirect_dma source(%dma_start3A_75 : memref<1000000x64xf32, #tpu.memory_space<hbm>>) target(%dma_start3A_69 : memref<72x64xf32, #tpu.memory_space<vmem>>) offsets(%dma_start3A_72 : memref<72xi32, #tpu.memory_space<vmem>>) semaphore(%arg11 : memref<!tpu.dma_semaphore, #tpu.memory_space<semaphore_mem>>)
    %dma_start3A_76 = arith.constant 3 : i32
    %dma_start3A_77 = arith.constant 3 : i32
    %dma_start3A_78 = arith.constant 0 : i32
    %dma_start3A_79 = arith.constant 0 : i32
    %dma_start3A_80 = tpu.memref_slice %arg9[%dma_start3A_77, %dma_start3A_78, %dma_start3A_79] : memref<4x200x64xf32, #tpu.memory_space<vmem>> -> memref<1x128x64xf32, #tpu.memory_space<vmem>>
    %dma_start3A_81 = tpu.memref_squeeze %dma_start3A_80 : memref<1x128x64xf32, #tpu.memory_space<vmem>> -> memref<128x64xf32, #tpu.memory_space<vmem>>
    %dma_start3A_82 = arith.constant 0 : i32
    %dma_start3A_83 = tpu.memref_slice %arg7[%dma_start3A_76, %dma_start3A_82] : memref<4x200xi32, #tpu.memory_space<vmem>> -> memref<1x128xi32, #tpu.memory_space<vmem>>
    %dma_start3A_84 = tpu.memref_squeeze %dma_start3A_83 : memref<1x128xi32, #tpu.memory_space<vmem>> -> memref<128xi32, #tpu.memory_space<vmem>>
    %dma_start3A_85 = arith.constant 0 : i32
    %dma_start3A_86 = arith.constant 0 : i32
    %dma_start3A_87 = tpu.memref_slice %arg3[%dma_start3A_85, %dma_start3A_86] : memref<1000000x64xf32, #tpu.memory_space<hbm>> -> memref<1000000x64xf32, #tpu.memory_space<hbm>>
    tpu.enqueue_indirect_dma source(%dma_start3A_87 : memref<1000000x64xf32, #tpu.memory_space<hbm>>) target(%dma_start3A_81 : memref<128x64xf32, #tpu.memory_space<vmem>>) offsets(%dma_start3A_84 : memref<128xi32, #tpu.memory_space<vmem>>) semaphore(%arg11 : memref<!tpu.dma_semaphore, #tpu.memory_space<semaphore_mem>>)
    %dma_start3A_88 = arith.constant 3 : i32
    %dma_start3A_89 = arith.constant 3 : i32
    %dma_start3A_90 = arith.constant 128 : i32
    %dma_start3A_91 = arith.constant 0 : i32
    %dma_start3A_92 = tpu.memref_slice %arg9[%dma_start3A_89, %dma_start3A_90, %dma_start3A_91] : memref<4x200x64xf32, #tpu.memory_space<vmem>> -> memref<1x72x64xf32, #tpu.memory_space<vmem>>
    %dma_start3A_93 = tpu.memref_squeeze %dma_start3A_92 : memref<1x72x64xf32, #tpu.memory_space<vmem>> -> memref<72x64xf32, #tpu.memory_space<vmem>>
    %dma_start3A_94 = arith.constant 128 : i32
    %dma_start3A_95 = tpu.memref_slice %arg7[%dma_start3A_88, %dma_start3A_94] : memref<4x200xi32, #tpu.memory_space<vmem>> -> memref<1x72xi32, #tpu.memory_space<vmem>>
    %dma_start3A_96 = tpu.memref_squeeze %dma_start3A_95 : memref<1x72xi32, #tpu.memory_space<vmem>> -> memref<72xi32, #tpu.memory_space<vmem>>
    %dma_start3A_97 = arith.constant 0 : i32
    %dma_start3A_98 = arith.constant 0 : i32
    %dma_start3A_99 = tpu.memref_slice %arg3[%dma_start3A_97, %dma_start3A_98] : memref<1000000x64xf32, #tpu.memory_space<hbm>> -> memref<1000000x64xf32, #tpu.memory_space<hbm>>
    tpu.enqueue_indirect_dma source(%dma_start3A_99 : memref<1000000x64xf32, #tpu.memory_space<hbm>>) target(%dma_start3A_93 : memref<72x64xf32, #tpu.memory_space<vmem>>) offsets(%dma_start3A_96 : memref<72xi32, #tpu.memory_space<vmem>>) semaphore(%arg11 : memref<!tpu.dma_semaphore, #tpu.memory_space<semaphore_mem>>)
    %scan3A = arith.constant 0 : i32
    %scan3A_100 = arith.constant 0 : i32
    %scan3A_101 = arith.constant 16 : i32
    %scan3A_102 = arith.addi %scan3A_100, %scan3A_101 : i32
    %scan3A_103 = arith.constant 1 : i32
    scf.for %scan3A_120 = %scan3A_100 to %scan3A_102 step %scan3A_103  : i32 {
      %mul3A_121 = arith.constant 2 : i32
      %mul3A_122 = arith.muli %mul3A_121, %scan3A_120 : i32
      %add3A_123 = arith.constant 0 : i32
      %add3A_124 = arith.addi %mul3A_122, %add3A_123 : i32
      %dma_wait3A_125 = arith.constant 0 : i32
      %dma_wait3A_126 = arith.constant 0 : i32
      %dma_wait3A_127 = arith.constant 0 : i32
      %dma_wait3A_128 = tpu.memref_slice %arg9[%dma_wait3A_125, %dma_wait3A_126, %dma_wait3A_127] : memref<4x200x64xf32, #tpu.memory_space<vmem>> -> memref<1x128x64xf32, #tpu.memory_space<vmem>>
      %dma_wait3A_129 = tpu.memref_squeeze %dma_wait3A_128 : memref<1x128x64xf32, #tpu.memory_space<vmem>> -> memref<128x64xf32, #tpu.memory_space<vmem>>
      %dma_wait3A_130 = arith.constant 0 : i32
      %dma_wait3A_131 = arith.constant 0 : i32
      %dma_wait3A_132 = tpu.memref_slice %arg3[%dma_wait3A_130, %dma_wait3A_131] : memref<1000000x64xf32, #tpu.memory_space<hbm>> -> memref<128x64xf32, #tpu.memory_space<hbm>>
      %dma_wait3A_133 = arith.constant 0 : i32
      %dma_wait3A_134 = arith.constant 0 : i32
      %dma_wait3A_135 = tpu.memref_slice %arg9[%dma_wait3A_125, %dma_wait3A_133, %dma_wait3A_134] : memref<4x200x64xf32, #tpu.memory_space<vmem>> -> memref<1x128x64xf32, #tpu.memory_space<vmem>>
      %dma_wait3A_136 = tpu.memref_squeeze %dma_wait3A_135 : memref<1x128x64xf32, #tpu.memory_space<vmem>> -> memref<128x64xf32, #tpu.memory_space<vmem>>
      %dma_wait3A_137 = arith.constant 0 : i32
      %dma_wait3A_138 = arith.constant 0 : i32
      %dma_wait3A_139 = tpu.memref_slice %arg3[%dma_wait3A_137, %dma_wait3A_138] : memref<1000000x64xf32, #tpu.memory_space<hbm>> -> memref<128x64xf32, #tpu.memory_space<hbm>>
      tpu.wait_dma2 semaphore(%arg11 : memref<!tpu.dma_semaphore, #tpu.memory_space<semaphore_mem>>) src(%dma_wait3A_139 : memref<128x64xf32, #tpu.memory_space<hbm>>) dst(%dma_wait3A_136 : memref<128x64xf32, #tpu.memory_space<vmem>>)
      %dma_wait3A_140 = arith.constant 0 : i32
      %dma_wait3A_141 = arith.constant 128 : i32
      %dma_wait3A_142 = arith.constant 0 : i32
      %dma_wait3A_143 = tpu.memref_slice %arg9[%dma_wait3A_140, %dma_wait3A_141, %dma_wait3A_142] : memref<4x200x64xf32, #tpu.memory_space<vmem>> -> memref<1x72x64xf32, #tpu.memory_space<vmem>>
      %dma_wait3A_144 = tpu.memref_squeeze %dma_wait3A_143 : memref<1x72x64xf32, #tpu.memory_space<vmem>> -> memref<72x64xf32, #tpu.memory_space<vmem>>
      %dma_wait3A_145 = arith.constant 0 : i32
      %dma_wait3A_146 = arith.constant 0 : i32
      %dma_wait3A_147 = tpu.memref_slice %arg3[%dma_wait3A_145, %dma_wait3A_146] : memref<1000000x64xf32, #tpu.memory_space<hbm>> -> memref<72x64xf32, #tpu.memory_space<hbm>>
      %dma_wait3A_148 = arith.constant 128 : i32
      %dma_wait3A_149 = arith.constant 0 : i32
      %dma_wait3A_150 = tpu.memref_slice %arg9[%dma_wait3A_140, %dma_wait3A_148, %dma_wait3A_149] : memref<4x200x64xf32, #tpu.memory_space<vmem>> -> memref<1x72x64xf32, #tpu.memory_space<vmem>>
      %dma_wait3A_151 = tpu.memref_squeeze %dma_wait3A_150 : memref<1x72x64xf32, #tpu.memory_space<vmem>> -> memref<72x64xf32, #tpu.memory_space<vmem>>
      %dma_wait3A_152 = arith.constant 0 : i32
      %dma_wait3A_153 = arith.constant 0 : i32
      %dma_wait3A_154 = tpu.memref_slice %arg3[%dma_wait3A_152, %dma_wait3A_153] : memref<1000000x64xf32, #tpu.memory_space<hbm>> -> memref<72x64xf32, #tpu.memory_space<hbm>>
      tpu.wait_dma2 semaphore(%arg11 : memref<!tpu.dma_semaphore, #tpu.memory_space<semaphore_mem>>) src(%dma_wait3A_154 : memref<72x64xf32, #tpu.memory_space<hbm>>) dst(%dma_wait3A_151 : memref<72x64xf32, #tpu.memory_space<vmem>>)
      %dma_wait3A_155 = arith.constant 1 : i32
      %dma_wait3A_156 = arith.constant 0 : i32
      %dma_wait3A_157 = arith.constant 0 : i32
      %dma_wait3A_158 = tpu.memref_slice %arg9[%dma_wait3A_155, %dma_wait3A_156, %dma_wait3A_157] : memref<4x200x64xf32, #tpu.memory_space<vmem>> -> memref<1x128x64xf32, #tpu.memory_space<vmem>>
      %dma_wait3A_159 = tpu.memref_squeeze %dma_wait3A_158 : memref<1x128x64xf32, #tpu.memory_space<vmem>> -> memref<128x64xf32, #tpu.memory_space<vmem>>
      %dma_wait3A_160 = arith.constant 0 : i32
      %dma_wait3A_161 = arith.constant 0 : i32
      %dma_wait3A_162 = tpu.memref_slice %arg3[%dma_wait3A_160, %dma_wait3A_161] : memref<1000000x64xf32, #tpu.memory_space<hbm>> -> memref<128x64xf32, #tpu.memory_space<hbm>>
      %dma_wait3A_163 = arith.constant 0 : i32
      %dma_wait3A_164 = arith.constant 0 : i32
      %dma_wait3A_165 = tpu.memref_slice %arg9[%dma_wait3A_155, %dma_wait3A_163, %dma_wait3A_164] : memref<4x200x64xf32, #tpu.memory_space<vmem>> -> memref<1x128x64xf32, #tpu.memory_space<vmem>>
      %dma_wait3A_166 = tpu.memref_squeeze %dma_wait3A_165 : memref<1x128x64xf32, #tpu.memory_space<vmem>> -> memref<128x64xf32, #tpu.memory_space<vmem>>
      %dma_wait3A_167 = arith.constant 0 : i32
      %dma_wait3A_168 = arith.constant 0 : i32
      %dma_wait3A_169 = tpu.memref_slice %arg3[%dma_wait3A_167, %dma_wait3A_168] : memref<1000000x64xf32, #tpu.memory_space<hbm>> -> memref<128x64xf32, #tpu.memory_space<hbm>>
      tpu.wait_dma2 semaphore(%arg11 : memref<!tpu.dma_semaphore, #tpu.memory_space<semaphore_mem>>) src(%dma_wait3A_169 : memref<128x64xf32, #tpu.memory_space<hbm>>) dst(%dma_wait3A_166 : memref<128x64xf32, #tpu.memory_space<vmem>>)
      %dma_wait3A_170 = arith.constant 1 : i32
      %dma_wait3A_171 = arith.constant 128 : i32
      %dma_wait3A_172 = arith.constant 0 : i32
      %dma_wait3A_173 = tpu.memref_slice %arg9[%dma_wait3A_170, %dma_wait3A_171, %dma_wait3A_172] : memref<4x200x64xf32, #tpu.memory_space<vmem>> -> memref<1x72x64xf32, #tpu.memory_space<vmem>>
      %dma_wait3A_174 = tpu.memref_squeeze %dma_wait3A_173 : memref<1x72x64xf32, #tpu.memory_space<vmem>> -> memref<72x64xf32, #tpu.memory_space<vmem>>
      %dma_wait3A_175 = arith.constant 0 : i32
      %dma_wait3A_176 = arith.constant 0 : i32
      %dma_wait3A_177 = tpu.memref_slice %arg3[%dma_wait3A_175, %dma_wait3A_176] : memref<1000000x64xf32, #tpu.memory_space<hbm>> -> memref<72x64xf32, #tpu.memory_space<hbm>>
      %dma_wait3A_178 = arith.constant 128 : i32
      %dma_wait3A_179 = arith.constant 0 : i32
      %dma_wait3A_180 = tpu.memref_slice %arg9[%dma_wait3A_170, %dma_wait3A_178, %dma_wait3A_179] : memref<4x200x64xf32, #tpu.memory_space<vmem>> -> memref<1x72x64xf32, #tpu.memory_space<vmem>>
      %dma_wait3A_181 = tpu.memref_squeeze %dma_wait3A_180 : memref<1x72x64xf32, #tpu.memory_space<vmem>> -> memref<72x64xf32, #tpu.memory_space<vmem>>
      %dma_wait3A_182 = arith.constant 0 : i32
      %dma_wait3A_183 = arith.constant 0 : i32
      %dma_wait3A_184 = tpu.memref_slice %arg3[%dma_wait3A_182, %dma_wait3A_183] : memref<1000000x64xf32, #tpu.memory_space<hbm>> -> memref<72x64xf32, #tpu.memory_space<hbm>>
      tpu.wait_dma2 semaphore(%arg11 : memref<!tpu.dma_semaphore, #tpu.memory_space<semaphore_mem>>) src(%dma_wait3A_184 : memref<72x64xf32, #tpu.memory_space<hbm>>) dst(%dma_wait3A_181 : memref<72x64xf32, #tpu.memory_space<vmem>>)
      %dma_wait3A_185 = arith.constant 2 : i32
      %dma_wait3A_186 = arith.constant 0 : i32
      %dma_wait3A_187 = arith.constant 0 : i32
      %dma_wait3A_188 = tpu.memref_slice %arg9[%dma_wait3A_185, %dma_wait3A_186, %dma_wait3A_187] : memref<4x200x64xf32, #tpu.memory_space<vmem>> -> memref<1x128x64xf32, #tpu.memory_space<vmem>>
      %dma_wait3A_189 = tpu.memref_squeeze %dma_wait3A_188 : memref<1x128x64xf32, #tpu.memory_space<vmem>> -> memref<128x64xf32, #tpu.memory_space<vmem>>
      %dma_wait3A_190 = arith.constant 0 : i32
      %dma_wait3A_191 = arith.constant 0 : i32
      %dma_wait3A_192 = tpu.memref_slice %arg3[%dma_wait3A_190, %dma_wait3A_191] : memref<1000000x64xf32, #tpu.memory_space<hbm>> -> memref<128x64xf32, #tpu.memory_space<hbm>>
      %dma_wait3A_193 = arith.constant 0 : i32
      %dma_wait3A_194 = arith.constant 0 : i32
      %dma_wait3A_195 = tpu.memref_slice %arg9[%dma_wait3A_185, %dma_wait3A_193, %dma_wait3A_194] : memref<4x200x64xf32, #tpu.memory_space<vmem>> -> memref<1x128x64xf32, #tpu.memory_space<vmem>>
      %dma_wait3A_196 = tpu.memref_squeeze %dma_wait3A_195 : memref<1x128x64xf32, #tpu.memory_space<vmem>> -> memref<128x64xf32, #tpu.memory_space<vmem>>
      %dma_wait3A_197 = arith.constant 0 : i32
      %dma_wait3A_198 = arith.constant 0 : i32
      %dma_wait3A_199 = tpu.memref_slice %arg3[%dma_wait3A_197, %dma_wait3A_198] : memref<1000000x64xf32, #tpu.memory_space<hbm>> -> memref<128x64xf32, #tpu.memory_space<hbm>>
      tpu.wait_dma2 semaphore(%arg11 : memref<!tpu.dma_semaphore, #tpu.memory_space<semaphore_mem>>) src(%dma_wait3A_199 : memref<128x64xf32, #tpu.memory_space<hbm>>) dst(%dma_wait3A_196 : memref<128x64xf32, #tpu.memory_space<vmem>>)
      %dma_wait3A_200 = arith.constant 2 : i32
      %dma_wait3A_201 = arith.constant 128 : i32
      %dma_wait3A_202 = arith.constant 0 : i32
      %dma_wait3A_203 = tpu.memref_slice %arg9[%dma_wait3A_200, %dma_wait3A_201, %dma_wait3A_202] : memref<4x200x64xf32, #tpu.memory_space<vmem>> -> memref<1x72x64xf32, #tpu.memory_space<vmem>>
      %dma_wait3A_204 = tpu.memref_squeeze %dma_wait3A_203 : memref<1x72x64xf32, #tpu.memory_space<vmem>> -> memref<72x64xf32, #tpu.memory_space<vmem>>
      %dma_wait3A_205 = arith.constant 0 : i32
      %dma_wait3A_206 = arith.constant 0 : i32
      %dma_wait3A_207 = tpu.memref_slice %arg3[%dma_wait3A_205, %dma_wait3A_206] : memref<1000000x64xf32, #tpu.memory_space<hbm>> -> memref<72x64xf32, #tpu.memory_space<hbm>>
      %dma_wait3A_208 = arith.constant 128 : i32
      %dma_wait3A_209 = arith.constant 0 : i32
      %dma_wait3A_210 = tpu.memref_slice %arg9[%dma_wait3A_200, %dma_wait3A_208, %dma_wait3A_209] : memref<4x200x64xf32, #tpu.memory_space<vmem>> -> memref<1x72x64xf32, #tpu.memory_space<vmem>>
      %dma_wait3A_211 = tpu.memref_squeeze %dma_wait3A_210 : memref<1x72x64xf32, #tpu.memory_space<vmem>> -> memref<72x64xf32, #tpu.memory_space<vmem>>
      %dma_wait3A_212 = arith.constant 0 : i32
      %dma_wait3A_213 = arith.constant 0 : i32
      %dma_wait3A_214 = tpu.memref_slice %arg3[%dma_wait3A_212, %dma_wait3A_213] : memref<1000000x64xf32, #tpu.memory_space<hbm>> -> memref<72x64xf32, #tpu.memory_space<hbm>>
      tpu.wait_dma2 semaphore(%arg11 : memref<!tpu.dma_semaphore, #tpu.memory_space<semaphore_mem>>) src(%dma_wait3A_214 : memref<72x64xf32, #tpu.memory_space<hbm>>) dst(%dma_wait3A_211 : memref<72x64xf32, #tpu.memory_space<vmem>>)
      %dma_wait3A_215 = arith.constant 3 : i32
      %dma_wait3A_216 = arith.constant 0 : i32
      %dma_wait3A_217 = arith.constant 0 : i32
      %dma_wait3A_218 = tpu.memref_slice %arg9[%dma_wait3A_215, %dma_wait3A_216, %dma_wait3A_217] : memref<4x200x64xf32, #tpu.memory_space<vmem>> -> memref<1x128x64xf32, #tpu.memory_space<vmem>>
      %dma_wait3A_219 = tpu.memref_squeeze %dma_wait3A_218 : memref<1x128x64xf32, #tpu.memory_space<vmem>> -> memref<128x64xf32, #tpu.memory_space<vmem>>
      %dma_wait3A_220 = arith.constant 0 : i32
      %dma_wait3A_221 = arith.constant 0 : i32
      %dma_wait3A_222 = tpu.memref_slice %arg3[%dma_wait3A_220, %dma_wait3A_221] : memref<1000000x64xf32, #tpu.memory_space<hbm>> -> memref<128x64xf32, #tpu.memory_space<hbm>>
      %dma_wait3A_223 = arith.constant 0 : i32
      %dma_wait3A_224 = arith.constant 0 : i32
      %dma_wait3A_225 = tpu.memref_slice %arg9[%dma_wait3A_215, %dma_wait3A_223, %dma_wait3A_224] : memref<4x200x64xf32, #tpu.memory_space<vmem>> -> memref<1x128x64xf32, #tpu.memory_space<vmem>>
      %dma_wait3A_226 = tpu.memref_squeeze %dma_wait3A_225 : memref<1x128x64xf32, #tpu.memory_space<vmem>> -> memref<128x64xf32, #tpu.memory_space<vmem>>
      %dma_wait3A_227 = arith.constant 0 : i32
      %dma_wait3A_228 = arith.constant 0 : i32
      %dma_wait3A_229 = tpu.memref_slice %arg3[%dma_wait3A_227, %dma_wait3A_228] : memref<1000000x64xf32, #tpu.memory_space<hbm>> -> memref<128x64xf32, #tpu.memory_space<hbm>>
      tpu.wait_dma2 semaphore(%arg11 : memref<!tpu.dma_semaphore, #tpu.memory_space<semaphore_mem>>) src(%dma_wait3A_229 : memref<128x64xf32, #tpu.memory_space<hbm>>) dst(%dma_wait3A_226 : memref<128x64xf32, #tpu.memory_space<vmem>>)
      %dma_wait3A_230 = arith.constant 3 : i32
      %dma_wait3A_231 = arith.constant 128 : i32
      %dma_wait3A_232 = arith.constant 0 : i32
      %dma_wait3A_233 = tpu.memref_slice %arg9[%dma_wait3A_230, %dma_wait3A_231, %dma_wait3A_232] : memref<4x200x64xf32, #tpu.memory_space<vmem>> -> memref<1x72x64xf32, #tpu.memory_space<vmem>>
      %dma_wait3A_234 = tpu.memref_squeeze %dma_wait3A_233 : memref<1x72x64xf32, #tpu.memory_space<vmem>> -> memref<72x64xf32, #tpu.memory_space<vmem>>
      %dma_wait3A_235 = arith.constant 0 : i32
      %dma_wait3A_236 = arith.constant 0 : i32
      %dma_wait3A_237 = tpu.memref_slice %arg3[%dma_wait3A_235, %dma_wait3A_236] : memref<1000000x64xf32, #tpu.memory_space<hbm>> -> memref<72x64xf32, #tpu.memory_space<hbm>>
      %dma_wait3A_238 = arith.constant 128 : i32
      %dma_wait3A_239 = arith.constant 0 : i32
      %dma_wait3A_240 = tpu.memref_slice %arg9[%dma_wait3A_230, %dma_wait3A_238, %dma_wait3A_239] : memref<4x200x64xf32, #tpu.memory_space<vmem>> -> memref<1x72x64xf32, #tpu.memory_space<vmem>>
      %dma_wait3A_241 = tpu.memref_squeeze %dma_wait3A_240 : memref<1x72x64xf32, #tpu.memory_space<vmem>> -> memref<72x64xf32, #tpu.memory_space<vmem>>
      %dma_wait3A_242 = arith.constant 0 : i32
      %dma_wait3A_243 = arith.constant 0 : i32
      %dma_wait3A_244 = tpu.memref_slice %arg3[%dma_wait3A_242, %dma_wait3A_243] : memref<1000000x64xf32, #tpu.memory_space<hbm>> -> memref<72x64xf32, #tpu.memory_space<hbm>>
      tpu.wait_dma2 semaphore(%arg11 : memref<!tpu.dma_semaphore, #tpu.memory_space<semaphore_mem>>) src(%dma_wait3A_244 : memref<72x64xf32, #tpu.memory_space<hbm>>) dst(%dma_wait3A_241 : memref<72x64xf32, #tpu.memory_space<vmem>>)
      %add3A_245 = arith.constant 1 : i32
      %add3A_246 = arith.addi %add3A_124, %add3A_245 : i32
      %lt3A = arith.constant 32 : i32
      %lt3A_247 = arith.cmpi slt, %add3A_246, %lt3A : i32
      %convert_element_type3A = arith.extui %lt3A_247 : i1 to i32
      %cond3A = arith.constant 0 : i32
      %cond3A_248 = arith.cmpi ne, %convert_element_type3A, %cond3A : i32
      scf.if %cond3A_248 {
        %ge3A = arith.constant 1 : i32
        %ge3A_410 = arith.cmpi sge, %add3A_124, %ge3A : i32
        %convert_element_type3A_411 = arith.extui %ge3A_410 : i1 to i32
        %cond3A_412 = arith.constant 0 : i32
        %cond3A_413 = arith.cmpi ne, %convert_element_type3A_411, %cond3A_412 : i32
        scf.if %cond3A_413 {
          %sub3A = arith.constant 1 : i32
          %sub3A_515 = arith.subi %add3A_124, %sub3A : i32
          %mul3A_516 = arith.constant 4 : i32
          %mul3A_517 = arith.muli %sub3A_515, %mul3A_516 : i32
          %add3A_518 = arith.addi %mul3A_2, %mul3A_517 : i32
          %dma_wait3A_519 = arith.constant 0 : i32
          %dma_wait3A_520 = arith.constant 0 : i32
          %dma_wait3A_521 = tpu.memref_slice %arg5[%add3A_518, %dma_wait3A_519, %dma_wait3A_520] : memref<4096x200x64xf32, #tpu.memory_space<hbm>> -> memref<4x200x64xf32, #tpu.memory_space<hbm>>
          %dma_wait3A_522 = arith.constant 0 : i32
          %dma_wait3A_523 = arith.constant 0 : i32
          %dma_wait3A_524 = tpu.memref_slice %arg5[%add3A_518, %dma_wait3A_522, %dma_wait3A_523] : memref<4096x200x64xf32, #tpu.memory_space<hbm>> -> memref<4x200x64xf32, #tpu.memory_space<hbm>>
          tpu.wait_dma2 semaphore(%arg12 : memref<!tpu.dma_semaphore, #tpu.memory_space<semaphore_mem>>) src(%arg10 : memref<4x200x64xf32, #tpu.memory_space<vmem>>) dst(%dma_wait3A_524 : memref<4x200x64xf32, #tpu.memory_space<hbm>>)
        } else {
        }
        %add3A_414 = arith.constant 1 : i32
        %add3A_415 = arith.addi %add3A_124, %add3A_414 : i32
        %mul3A_416 = arith.constant 4 : i32
        %mul3A_417 = arith.muli %add3A_415, %mul3A_416 : i32
        %add3A_418 = arith.addi %mul3A_2, %mul3A_417 : i32
        "tpu.region"() ({
          %run_scoped3A = tpu.sem_alloc : memref<!tpu.dma_semaphore, #tpu.memory_space<semaphore_mem>>
          %dma_start3A_515 = arith.constant 0 : i32
          %dma_start3A_516 = tpu.memref_slice %arg2[%add3A_418, %dma_start3A_515] : memref<4096x200xi32, #tpu.memory_space<hbm>> -> memref<4x200xi32, #tpu.memory_space<hbm>>
          %dma_start3A_517 = arith.constant 0 : i32
          %dma_start3A_518 = tpu.memref_slice %arg2[%add3A_418, %dma_start3A_517] : memref<4096x200xi32, #tpu.memory_space<hbm>> -> memref<4x200xi32, #tpu.memory_space<hbm>>
          tpu.enqueue_dma source(%dma_start3A_518 : memref<4x200xi32, #tpu.memory_space<hbm>>) target(%arg8 : memref<4x200xi32, #tpu.memory_space<vmem>>) target_semaphore(%run_scoped3A : memref<!tpu.dma_semaphore, #tpu.memory_space<semaphore_mem>>)
          %dma_wait3A_519 = arith.constant 0 : i32
          %dma_wait3A_520 = tpu.memref_slice %arg2[%add3A_418, %dma_wait3A_519] : memref<4096x200xi32, #tpu.memory_space<hbm>> -> memref<4x200xi32, #tpu.memory_space<hbm>>
          %dma_wait3A_521 = arith.constant 0 : i32
          %dma_wait3A_522 = tpu.memref_slice %arg2[%add3A_418, %dma_wait3A_521] : memref<4096x200xi32, #tpu.memory_space<hbm>> -> memref<4x200xi32, #tpu.memory_space<hbm>>
          tpu.wait_dma2 semaphore(%run_scoped3A : memref<!tpu.dma_semaphore, #tpu.memory_space<semaphore_mem>>) src(%dma_wait3A_522 : memref<4x200xi32, #tpu.memory_space<hbm>>) dst(%arg8 : memref<4x200xi32, #tpu.memory_space<vmem>>)
          tpu.yield
        }) : () -> ()
        %dma_start3A_419 = arith.constant 0 : i32
        %dma_start3A_420 = arith.constant 0 : i32
        %dma_start3A_421 = arith.constant 0 : i32
        %dma_start3A_422 = arith.constant 0 : i32
        %dma_start3A_423 = tpu.memref_slice %arg10[%dma_start3A_420, %dma_start3A_421, %dma_start3A_422] : memref<4x200x64xf32, #tpu.memory_space<vmem>> -> memref<1x128x64xf32, #tpu.memory_space<vmem>>
        %dma_start3A_424 = tpu.memref_squeeze %dma_start3A_423 : memref<1x128x64xf32, #tpu.memory_space<vmem>> -> memref<128x64xf32, #tpu.memory_space<vmem>>
        %dma_start3A_425 = arith.constant 0 : i32
        %dma_start3A_426 = tpu.memref_slice %arg8[%dma_start3A_419, %dma_start3A_425] : memref<4x200xi32, #tpu.memory_space<vmem>> -> memref<1x128xi32, #tpu.memory_space<vmem>>
        %dma_start3A_427 = tpu.memref_squeeze %dma_start3A_426 : memref<1x128xi32, #tpu.memory_space<vmem>> -> memref<128xi32, #tpu.memory_space<vmem>>
        %dma_start3A_428 = arith.constant 0 : i32
        %dma_start3A_429 = arith.constant 0 : i32
        %dma_start3A_430 = tpu.memref_slice %arg3[%dma_start3A_428, %dma_start3A_429] : memref<1000000x64xf32, #tpu.memory_space<hbm>> -> memref<1000000x64xf32, #tpu.memory_space<hbm>>
        tpu.enqueue_indirect_dma source(%dma_start3A_430 : memref<1000000x64xf32, #tpu.memory_space<hbm>>) target(%dma_start3A_424 : memref<128x64xf32, #tpu.memory_space<vmem>>) offsets(%dma_start3A_427 : memref<128xi32, #tpu.memory_space<vmem>>) semaphore(%arg11 : memref<!tpu.dma_semaphore, #tpu.memory_space<semaphore_mem>>)
        %dma_start3A_431 = arith.constant 0 : i32
        %dma_start3A_432 = arith.constant 0 : i32
        %dma_start3A_433 = arith.constant 128 : i32
        %dma_start3A_434 = arith.constant 0 : i32
        %dma_start3A_435 = tpu.memref_slice %arg10[%dma_start3A_432, %dma_start3A_433, %dma_start3A_434] : memref<4x200x64xf32, #tpu.memory_space<vmem>> -> memref<1x72x64xf32, #tpu.memory_space<vmem>>
        %dma_start3A_436 = tpu.memref_squeeze %dma_start3A_435 : memref<1x72x64xf32, #tpu.memory_space<vmem>> -> memref<72x64xf32, #tpu.memory_space<vmem>>
        %dma_start3A_437 = arith.constant 128 : i32
        %dma_start3A_438 = tpu.memref_slice %arg8[%dma_start3A_431, %dma_start3A_437] : memref<4x200xi32, #tpu.memory_space<vmem>> -> memref<1x72xi32, #tpu.memory_space<vmem>>
        %dma_start3A_439 = tpu.memref_squeeze %dma_start3A_438 : memref<1x72xi32, #tpu.memory_space<vmem>> -> memref<72xi32, #tpu.memory_space<vmem>>
        %dma_start3A_440 = arith.constant 0 : i32
        %dma_start3A_441 = arith.constant 0 : i32
        %dma_start3A_442 = tpu.memref_slice %arg3[%dma_start3A_440, %dma_start3A_441] : memref<1000000x64xf32, #tpu.memory_space<hbm>> -> memref<1000000x64xf32, #tpu.memory_space<hbm>>
        tpu.enqueue_indirect_dma source(%dma_start3A_442 : memref<1000000x64xf32, #tpu.memory_space<hbm>>) target(%dma_start3A_436 : memref<72x64xf32, #tpu.memory_space<vmem>>) offsets(%dma_start3A_439 : memref<72xi32, #tpu.memory_space<vmem>>) semaphore(%arg11 : memref<!tpu.dma_semaphore, #tpu.memory_space<semaphore_mem>>)
        %dma_start3A_443 = arith.constant 1 : i32
        %dma_start3A_444 = arith.constant 1 : i32
        %dma_start3A_445 = arith.constant 0 : i32
        %dma_start3A_446 = arith.constant 0 : i32
        %dma_start3A_447 = tpu.memref_slice %arg10[%dma_start3A_444, %dma_start3A_445, %dma_start3A_446] : memref<4x200x64xf32, #tpu.memory_space<vmem>> -> memref<1x128x64xf32, #tpu.memory_space<vmem>>
        %dma_start3A_448 = tpu.memref_squeeze %dma_start3A_447 : memref<1x128x64xf32, #tpu.memory_space<vmem>> -> memref<128x64xf32, #tpu.memory_space<vmem>>
        %dma_start3A_449 = arith.constant 0 : i32
        %dma_start3A_450 = tpu.memref_slice %arg8[%dma_start3A_443, %dma_start3A_449] : memref<4x200xi32, #tpu.memory_space<vmem>> -> memref<1x128xi32, #tpu.memory_space<vmem>>
        %dma_start3A_451 = tpu.memref_squeeze %dma_start3A_450 : memref<1x128xi32, #tpu.memory_space<vmem>> -> memref<128xi32, #tpu.memory_space<vmem>>
        %dma_start3A_452 = arith.constant 0 : i32
        %dma_start3A_453 = arith.constant 0 : i32
        %dma_start3A_454 = tpu.memref_slice %arg3[%dma_start3A_452, %dma_start3A_453] : memref<1000000x64xf32, #tpu.memory_space<hbm>> -> memref<1000000x64xf32, #tpu.memory_space<hbm>>
        tpu.enqueue_indirect_dma source(%dma_start3A_454 : memref<1000000x64xf32, #tpu.memory_space<hbm>>) target(%dma_start3A_448 : memref<128x64xf32, #tpu.memory_space<vmem>>) offsets(%dma_start3A_451 : memref<128xi32, #tpu.memory_space<vmem>>) semaphore(%arg11 : memref<!tpu.dma_semaphore, #tpu.memory_space<semaphore_mem>>)
        %dma_start3A_455 = arith.constant 1 : i32
        %dma_start3A_456 = arith.constant 1 : i32
        %dma_start3A_457 = arith.constant 128 : i32
        %dma_start3A_458 = arith.constant 0 : i32
        %dma_start3A_459 = tpu.memref_slice %arg10[%dma_start3A_456, %dma_start3A_457, %dma_start3A_458] : memref<4x200x64xf32, #tpu.memory_space<vmem>> -> memref<1x72x64xf32, #tpu.memory_space<vmem>>
        %dma_start3A_460 = tpu.memref_squeeze %dma_start3A_459 : memref<1x72x64xf32, #tpu.memory_space<vmem>> -> memref<72x64xf32, #tpu.memory_space<vmem>>
        %dma_start3A_461 = arith.constant 128 : i32
        %dma_start3A_462 = tpu.memref_slice %arg8[%dma_start3A_455, %dma_start3A_461] : memref<4x200xi32, #tpu.memory_space<vmem>> -> memref<1x72xi32, #tpu.memory_space<vmem>>
        %dma_start3A_463 = tpu.memref_squeeze %dma_start3A_462 : memref<1x72xi32, #tpu.memory_space<vmem>> -> memref<72xi32, #tpu.memory_space<vmem>>
        %dma_start3A_464 = arith.constant 0 : i32
        %dma_start3A_465 = arith.constant 0 : i32
        %dma_start3A_466 = tpu.memref_slice %arg3[%dma_start3A_464, %dma_start3A_465] : memref<1000000x64xf32, #tpu.memory_space<hbm>> -> memref<1000000x64xf32, #tpu.memory_space<hbm>>
        tpu.enqueue_indirect_dma source(%dma_start3A_466 : memref<1000000x64xf32, #tpu.memory_space<hbm>>) target(%dma_start3A_460 : memref<72x64xf32, #tpu.memory_space<vmem>>) offsets(%dma_start3A_463 : memref<72xi32, #tpu.memory_space<vmem>>) semaphore(%arg11 : memref<!tpu.dma_semaphore, #tpu.memory_space<semaphore_mem>>)
        %dma_start3A_467 = arith.constant 2 : i32
        %dma_start3A_468 = arith.constant 2 : i32
        %dma_start3A_469 = arith.constant 0 : i32
        %dma_start3A_470 = arith.constant 0 : i32
        %dma_start3A_471 = tpu.memref_slice %arg10[%dma_start3A_468, %dma_start3A_469, %dma_start3A_470] : memref<4x200x64xf32, #tpu.memory_space<vmem>> -> memref<1x128x64xf32, #tpu.memory_space<vmem>>
        %dma_start3A_472 = tpu.memref_squeeze %dma_start3A_471 : memref<1x128x64xf32, #tpu.memory_space<vmem>> -> memref<128x64xf32, #tpu.memory_space<vmem>>
        %dma_start3A_473 = arith.constant 0 : i32
        %dma_start3A_474 = tpu.memref_slice %arg8[%dma_start3A_467, %dma_start3A_473] : memref<4x200xi32, #tpu.memory_space<vmem>> -> memref<1x128xi32, #tpu.memory_space<vmem>>
        %dma_start3A_475 = tpu.memref_squeeze %dma_start3A_474 : memref<1x128xi32, #tpu.memory_space<vmem>> -> memref<128xi32, #tpu.memory_space<vmem>>
        %dma_start3A_476 = arith.constant 0 : i32
        %dma_start3A_477 = arith.constant 0 : i32
        %dma_start3A_478 = tpu.memref_slice %arg3[%dma_start3A_476, %dma_start3A_477] : memref<1000000x64xf32, #tpu.memory_space<hbm>> -> memref<1000000x64xf32, #tpu.memory_space<hbm>>
        tpu.enqueue_indirect_dma source(%dma_start3A_478 : memref<1000000x64xf32, #tpu.memory_space<hbm>>) target(%dma_start3A_472 : memref<128x64xf32, #tpu.memory_space<vmem>>) offsets(%dma_start3A_475 : memref<128xi32, #tpu.memory_space<vmem>>) semaphore(%arg11 : memref<!tpu.dma_semaphore, #tpu.memory_space<semaphore_mem>>)
        %dma_start3A_479 = arith.constant 2 : i32
        %dma_start3A_480 = arith.constant 2 : i32
        %dma_start3A_481 = arith.constant 128 : i32
        %dma_start3A_482 = arith.constant 0 : i32
        %dma_start3A_483 = tpu.memref_slice %arg10[%dma_start3A_480, %dma_start3A_481, %dma_start3A_482] : memref<4x200x64xf32, #tpu.memory_space<vmem>> -> memref<1x72x64xf32, #tpu.memory_space<vmem>>
        %dma_start3A_484 = tpu.memref_squeeze %dma_start3A_483 : memref<1x72x64xf32, #tpu.memory_space<vmem>> -> memref<72x64xf32, #tpu.memory_space<vmem>>
        %dma_start3A_485 = arith.constant 128 : i32
        %dma_start3A_486 = tpu.memref_slice %arg8[%dma_start3A_479, %dma_start3A_485] : memref<4x200xi32, #tpu.memory_space<vmem>> -> memref<1x72xi32, #tpu.memory_space<vmem>>
        %dma_start3A_487 = tpu.memref_squeeze %dma_start3A_486 : memref<1x72xi32, #tpu.memory_space<vmem>> -> memref<72xi32, #tpu.memory_space<vmem>>
        %dma_start3A_488 = arith.constant 0 : i32
        %dma_start3A_489 = arith.constant 0 : i32
        %dma_start3A_490 = tpu.memref_slice %arg3[%dma_start3A_488, %dma_start3A_489] : memref<1000000x64xf32, #tpu.memory_space<hbm>> -> memref<1000000x64xf32, #tpu.memory_space<hbm>>
        tpu.enqueue_indirect_dma source(%dma_start3A_490 : memref<1000000x64xf32, #tpu.memory_space<hbm>>) target(%dma_start3A_484 : memref<72x64xf32, #tpu.memory_space<vmem>>) offsets(%dma_start3A_487 : memref<72xi32, #tpu.memory_space<vmem>>) semaphore(%arg11 : memref<!tpu.dma_semaphore, #tpu.memory_space<semaphore_mem>>)
        %dma_start3A_491 = arith.constant 3 : i32
        %dma_start3A_492 = arith.constant 3 : i32
        %dma_start3A_493 = arith.constant 0 : i32
        %dma_start3A_494 = arith.constant 0 : i32
        %dma_start3A_495 = tpu.memref_slice %arg10[%dma_start3A_492, %dma_start3A_493, %dma_start3A_494] : memref<4x200x64xf32, #tpu.memory_space<vmem>> -> memref<1x128x64xf32, #tpu.memory_space<vmem>>
        %dma_start3A_496 = tpu.memref_squeeze %dma_start3A_495 : memref<1x128x64xf32, #tpu.memory_space<vmem>> -> memref<128x64xf32, #tpu.memory_space<vmem>>
        %dma_start3A_497 = arith.constant 0 : i32
        %dma_start3A_498 = tpu.memref_slice %arg8[%dma_start3A_491, %dma_start3A_497] : memref<4x200xi32, #tpu.memory_space<vmem>> -> memref<1x128xi32, #tpu.memory_space<vmem>>
        %dma_start3A_499 = tpu.memref_squeeze %dma_start3A_498 : memref<1x128xi32, #tpu.memory_space<vmem>> -> memref<128xi32, #tpu.memory_space<vmem>>
        %dma_start3A_500 = arith.constant 0 : i32
        %dma_start3A_501 = arith.constant 0 : i32
        %dma_start3A_502 = tpu.memref_slice %arg3[%dma_start3A_500, %dma_start3A_501] : memref<1000000x64xf32, #tpu.memory_space<hbm>> -> memref<1000000x64xf32, #tpu.memory_space<hbm>>
        tpu.enqueue_indirect_dma source(%dma_start3A_502 : memref<1000000x64xf32, #tpu.memory_space<hbm>>) target(%dma_start3A_496 : memref<128x64xf32, #tpu.memory_space<vmem>>) offsets(%dma_start3A_499 : memref<128xi32, #tpu.memory_space<vmem>>) semaphore(%arg11 : memref<!tpu.dma_semaphore, #tpu.memory_space<semaphore_mem>>)
        %dma_start3A_503 = arith.constant 3 : i32
        %dma_start3A_504 = arith.constant 3 : i32
        %dma_start3A_505 = arith.constant 128 : i32
        %dma_start3A_506 = arith.constant 0 : i32
        %dma_start3A_507 = tpu.memref_slice %arg10[%dma_start3A_504, %dma_start3A_505, %dma_start3A_506] : memref<4x200x64xf32, #tpu.memory_space<vmem>> -> memref<1x72x64xf32, #tpu.memory_space<vmem>>
        %dma_start3A_508 = tpu.memref_squeeze %dma_start3A_507 : memref<1x72x64xf32, #tpu.memory_space<vmem>> -> memref<72x64xf32, #tpu.memory_space<vmem>>
        %dma_start3A_509 = arith.constant 128 : i32
        %dma_start3A_510 = tpu.memref_slice %arg8[%dma_start3A_503, %dma_start3A_509] : memref<4x200xi32, #tpu.memory_space<vmem>> -> memref<1x72xi32, #tpu.memory_space<vmem>>
        %dma_start3A_511 = tpu.memref_squeeze %dma_start3A_510 : memref<1x72xi32, #tpu.memory_space<vmem>> -> memref<72xi32, #tpu.memory_space<vmem>>
        %dma_start3A_512 = arith.constant 0 : i32
        %dma_start3A_513 = arith.constant 0 : i32
        %dma_start3A_514 = tpu.memref_slice %arg3[%dma_start3A_512, %dma_start3A_513] : memref<1000000x64xf32, #tpu.memory_space<hbm>> -> memref<1000000x64xf32, #tpu.memory_space<hbm>>
        tpu.enqueue_indirect_dma source(%dma_start3A_514 : memref<1000000x64xf32, #tpu.memory_space<hbm>>) target(%dma_start3A_508 : memref<72x64xf32, #tpu.memory_space<vmem>>) offsets(%dma_start3A_511 : memref<72xi32, #tpu.memory_space<vmem>>) semaphore(%arg11 : memref<!tpu.dma_semaphore, #tpu.memory_space<semaphore_mem>>)
      } else {
      }
      %scan3A_249 = arith.constant 0 : i32
      %scan3A_250 = arith.constant 0 : i32
      %scan3A_251 = arith.constant 200 : i32
      %scan3A_252 = arith.addi %scan3A_250, %scan3A_251 : i32
      %scan3A_253 = arith.constant 1 : i32
      scf.for %scan3A_410 = %scan3A_250 to %scan3A_252 step %scan3A_253  : i32 {
        %get3A = arith.index_cast %scan3A_410 : i32 to index
        %get3A_411 = arith.constant 0 : index
        %get3A_412 = tpu.vector_load %arg6[%get3A, %get3A_411] {strides = array<i32>} : memref<200x64xf32, #tpu.memory_space<vmem>>, vector<1x16xf32>,
        %get3A_413 = vector.shape_cast %get3A_412 : vector<1x16xf32> to vector<16xf32>
        %swap3A = arith.constant 0 : i32
        %swap3A_414 = arith.index_cast %swap3A : i32 to index
        %swap3A_415 = arith.index_cast %scan3A_410 : i32 to index
        %swap3A_416 = arith.constant 0 : index
        %swap3A_417 = tpu.vector_load %arg9[%swap3A_414, %swap3A_415, %swap3A_416] {strides = array<i32>} : memref<4x200x64xf32, #tpu.memory_space<vmem>>, vector<1x1x16xf32>,
        %swap3A_418 = vector.shape_cast %swap3A_417 : vector<1x1x16xf32> to vector<16xf32>
        %swap3A_419 = vector.shape_cast %get3A_413 : vector<16xf32> to vector<1x1x16xf32>
        tpu.vector_store %arg9[%swap3A_414, %swap3A_415, %swap3A_416], %swap3A_419 {add = true, strides = array<i32>} : memref<4x200x64xf32, #tpu.memory_space<vmem>>, vector<1x1x16xf32>,
        %swap3A_420 = arith.constant 1 : i32
        %swap3A_421 = arith.index_cast %swap3A_420 : i32 to index
        %swap3A_422 = arith.index_cast %scan3A_410 : i32 to index
        %swap3A_423 = arith.constant 0 : index
        %swap3A_424 = tpu.vector_load %arg9[%swap3A_421, %swap3A_422, %swap3A_423] {strides = array<i32>} : memref<4x200x64xf32, #tpu.memory_space<vmem>>, vector<1x1x16xf32>,
        %swap3A_425 = vector.shape_cast %swap3A_424 : vector<1x1x16xf32> to vector<16xf32>
        %swap3A_426 = vector.shape_cast %get3A_413 : vector<16xf32> to vector<1x1x16xf32>
        tpu.vector_store %arg9[%swap3A_421, %swap3A_422, %swap3A_423], %swap3A_426 {add = true, strides = array<i32>} : memref<4x200x64xf32, #tpu.memory_space<vmem>>, vector<1x1x16xf32>,
        %swap3A_427 = arith.constant 2 : i32
        %swap3A_428 = arith.index_cast %swap3A_427 : i32 to index
        %swap3A_429 = arith.index_cast %scan3A_410 : i32 to index
        %swap3A_430 = arith.constant 0 : index
        %swap3A_431 = tpu.vector_load %arg9[%swap3A_428, %swap3A_429, %swap3A_430] {strides = array<i32>} : memref<4x200x64xf32, #tpu.memory_space<vmem>>, vector<1x1x16xf32>,
        %swap3A_432 = vector.shape_cast %swap3A_431 : vector<1x1x16xf32> to vector<16xf32>
        %swap3A_433 = vector.shape_cast %get3A_413 : vector<16xf32> to vector<1x1x16xf32>
        tpu.vector_store %arg9[%swap3A_428, %swap3A_429, %swap3A_430], %swap3A_433 {add = true, strides = array<i32>} : memref<4x200x64xf32, #tpu.memory_space<vmem>>, vector<1x1x16xf32>,
        %swap3A_434 = arith.constant 3 : i32
        %swap3A_435 = arith.index_cast %swap3A_434 : i32 to index
        %swap3A_436 = arith.index_cast %scan3A_410 : i32 to index
        %swap3A_437 = arith.constant 0 : index
        %swap3A_438 = tpu.vector_load %arg9[%swap3A_435, %swap3A_436, %swap3A_437] {strides = array<i32>} : memref<4x200x64xf32, #tpu.memory_space<vmem>>, vector<1x1x16xf32>,
        %swap3A_439 = vector.shape_cast %swap3A_438 : vector<1x1x16xf32> to vector<16xf32>
        %swap3A_440 = vector.shape_cast %get3A_413 : vector<16xf32> to vector<1x1x16xf32>
        tpu.vector_store %arg9[%swap3A_435, %swap3A_436, %swap3A_437], %swap3A_440 {add = true, strides = array<i32>} : memref<4x200x64xf32, #tpu.memory_space<vmem>>, vector<1x1x16xf32>,
        %get3A_441 = arith.index_cast %scan3A_410 : i32 to index
        %get3A_442 = arith.constant 16 : index
        %get3A_443 = tpu.vector_load %arg6[%get3A_441, %get3A_442] {strides = array<i32>} : memref<200x64xf32, #tpu.memory_space<vmem>>, vector<1x16xf32>,
        %get3A_444 = vector.shape_cast %get3A_443 : vector<1x16xf32> to vector<16xf32>
        %swap3A_445 = arith.constant 0 : i32
        %swap3A_446 = arith.index_cast %swap3A_445 : i32 to index
        %swap3A_447 = arith.index_cast %scan3A_410 : i32 to index
        %swap3A_448 = arith.constant 16 : index
        %swap3A_449 = tpu.vector_load %arg9[%swap3A_446, %swap3A_447, %swap3A_448] {strides = array<i32>} : memref<4x200x64xf32, #tpu.memory_space<vmem>>, vector<1x1x16xf32>,
        %swap3A_450 = vector.shape_cast %swap3A_449 : vector<1x1x16xf32> to vector<16xf32>
        %swap3A_451 = vector.shape_cast %get3A_444 : vector<16xf32> to vector<1x1x16xf32>
        tpu.vector_store %arg9[%swap3A_446, %swap3A_447, %swap3A_448], %swap3A_451 {add = true, strides = array<i32>} : memref<4x200x64xf32, #tpu.memory_space<vmem>>, vector<1x1x16xf32>,
        %swap3A_452 = arith.constant 1 : i32
        %swap3A_453 = arith.index_cast %swap3A_452 : i32 to index
        %swap3A_454 = arith.index_cast %scan3A_410 : i32 to index
        %swap3A_455 = arith.constant 16 : index
        %swap3A_456 = tpu.vector_load %arg9[%swap3A_453, %swap3A_454, %swap3A_455] {strides = array<i32>} : memref<4x200x64xf32, #tpu.memory_space<vmem>>, vector<1x1x16xf32>,
        %swap3A_457 = vector.shape_cast %swap3A_456 : vector<1x1x16xf32> to vector<16xf32>
        %swap3A_458 = vector.shape_cast %get3A_444 : vector<16xf32> to vector<1x1x16xf32>
        tpu.vector_store %arg9[%swap3A_453, %swap3A_454, %swap3A_455], %swap3A_458 {add = true, strides = array<i32>} : memref<4x200x64xf32, #tpu.memory_space<vmem>>, vector<1x1x16xf32>,
        %swap3A_459 = arith.constant 2 : i32
        %swap3A_460 = arith.index_cast %swap3A_459 : i32 to index
        %swap3A_461 = arith.index_cast %scan3A_410 : i32 to index
        %swap3A_462 = arith.constant 16 : index
        %swap3A_463 = tpu.vector_load %arg9[%swap3A_460, %swap3A_461, %swap3A_462] {strides = array<i32>} : memref<4x200x64xf32, #tpu.memory_space<vmem>>, vector<1x1x16xf32>,
        %swap3A_464 = vector.shape_cast %swap3A_463 : vector<1x1x16xf32> to vector<16xf32>
        %swap3A_465 = vector.shape_cast %get3A_444 : vector<16xf32> to vector<1x1x16xf32>
        tpu.vector_store %arg9[%swap3A_460, %swap3A_461, %swap3A_462], %swap3A_465 {add = true, strides = array<i32>} : memref<4x200x64xf32, #tpu.memory_space<vmem>>, vector<1x1x16xf32>,
        %swap3A_466 = arith.constant 3 : i32
        %swap3A_467 = arith.index_cast %swap3A_466 : i32 to index
        %swap3A_468 = arith.index_cast %scan3A_410 : i32 to index
        %swap3A_469 = arith.constant 16 : index
        %swap3A_470 = tpu.vector_load %arg9[%swap3A_467, %swap3A_468, %swap3A_469] {strides = array<i32>} : memref<4x200x64xf32, #tpu.memory_space<vmem>>, vector<1x1x16xf32>,
        %swap3A_471 = vector.shape_cast %swap3A_470 : vector<1x1x16xf32> to vector<16xf32>
        %swap3A_472 = vector.shape_cast %get3A_444 : vector<16xf32> to vector<1x1x16xf32>
        tpu.vector_store %arg9[%swap3A_467, %swap3A_468, %swap3A_469], %swap3A_472 {add = true, strides = array<i32>} : memref<4x200x64xf32, #tpu.memory_space<vmem>>, vector<1x1x16xf32>,
        %get3A_473 = arith.index_cast %scan3A_410 : i32 to index
        %get3A_474 = arith.constant 32 : index
        %get3A_475 = tpu.vector_load %arg6[%get3A_473, %get3A_474] {strides = array<i32>} : memref<200x64xf32, #tpu.memory_space<vmem>>, vector<1x16xf32>,
        %get3A_476 = vector.shape_cast %get3A_475 : vector<1x16xf32> to vector<16xf32>
        %swap3A_477 = arith.constant 0 : i32
        %swap3A_478 = arith.index_cast %swap3A_477 : i32 to index
        %swap3A_479 = arith.index_cast %scan3A_410 : i32 to index
        %swap3A_480 = arith.constant 32 : index
        %swap3A_481 = tpu.vector_load %arg9[%swap3A_478, %swap3A_479, %swap3A_480] {strides = array<i32>} : memref<4x200x64xf32, #tpu.memory_space<vmem>>, vector<1x1x16xf32>,
        %swap3A_482 = vector.shape_cast %swap3A_481 : vector<1x1x16xf32> to vector<16xf32>
        %swap3A_483 = vector.shape_cast %get3A_476 : vector<16xf32> to vector<1x1x16xf32>
        tpu.vector_store %arg9[%swap3A_478, %swap3A_479, %swap3A_480], %swap3A_483 {add = true, strides = array<i32>} : memref<4x200x64xf32, #tpu.memory_space<vmem>>, vector<1x1x16xf32>,
        %swap3A_484 = arith.constant 1 : i32
        %swap3A_485 = arith.index_cast %swap3A_484 : i32 to index
        %swap3A_486 = arith.index_cast %scan3A_410 : i32 to index
        %swap3A_487 = arith.constant 32 : index
        %swap3A_488 = tpu.vector_load %arg9[%swap3A_485, %swap3A_486, %swap3A_487] {strides = array<i32>} : memref<4x200x64xf32, #tpu.memory_space<vmem>>, vector<1x1x16xf32>,
        %swap3A_489 = vector.shape_cast %swap3A_488 : vector<1x1x16xf32> to vector<16xf32>
        %swap3A_490 = vector.shape_cast %get3A_476 : vector<16xf32> to vector<1x1x16xf32>
        tpu.vector_store %arg9[%swap3A_485, %swap3A_486, %swap3A_487], %swap3A_490 {add = true, strides = array<i32>} : memref<4x200x64xf32, #tpu.memory_space<vmem>>, vector<1x1x16xf32>,
        %swap3A_491 = arith.constant 2 : i32
        %swap3A_492 = arith.index_cast %swap3A_491 : i32 to index
        %swap3A_493 = arith.index_cast %scan3A_410 : i32 to index
        %swap3A_494 = arith.constant 32 : index
        %swap3A_495 = tpu.vector_load %arg9[%swap3A_492, %swap3A_493, %swap3A_494] {strides = array<i32>} : memref<4x200x64xf32, #tpu.memory_space<vmem>>, vector<1x1x16xf32>,
        %swap3A_496 = vector.shape_cast %swap3A_495 : vector<1x1x16xf32> to vector<16xf32>
        %swap3A_497 = vector.shape_cast %get3A_476 : vector<16xf32> to vector<1x1x16xf32>
        tpu.vector_store %arg9[%swap3A_492, %swap3A_493, %swap3A_494], %swap3A_497 {add = true, strides = array<i32>} : memref<4x200x64xf32, #tpu.memory_space<vmem>>, vector<1x1x16xf32>,
        %swap3A_498 = arith.constant 3 : i32
        %swap3A_499 = arith.index_cast %swap3A_498 : i32 to index
        %swap3A_500 = arith.index_cast %scan3A_410 : i32 to index
        %swap3A_501 = arith.constant 32 : index
        %swap3A_502 = tpu.vector_load %arg9[%swap3A_499, %swap3A_500, %swap3A_501] {strides = array<i32>} : memref<4x200x64xf32, #tpu.memory_space<vmem>>, vector<1x1x16xf32>,
        %swap3A_503 = vector.shape_cast %swap3A_502 : vector<1x1x16xf32> to vector<16xf32>
        %swap3A_504 = vector.shape_cast %get3A_476 : vector<16xf32> to vector<1x1x16xf32>
        tpu.vector_store %arg9[%swap3A_499, %swap3A_500, %swap3A_501], %swap3A_504 {add = true, strides = array<i32>} : memref<4x200x64xf32, #tpu.memory_space<vmem>>, vector<1x1x16xf32>,
        %get3A_505 = arith.index_cast %scan3A_410 : i32 to index
        %get3A_506 = arith.constant 48 : index
        %get3A_507 = tpu.vector_load %arg6[%get3A_505, %get3A_506] {strides = array<i32>} : memref<200x64xf32, #tpu.memory_space<vmem>>, vector<1x16xf32>,
        %get3A_508 = vector.shape_cast %get3A_507 : vector<1x16xf32> to vector<16xf32>
        %swap3A_509 = arith.constant 0 : i32
        %swap3A_510 = arith.index_cast %swap3A_509 : i32 to index
        %swap3A_511 = arith.index_cast %scan3A_410 : i32 to index
        %swap3A_512 = arith.constant 48 : index
        %swap3A_513 = tpu.vector_load %arg9[%swap3A_510, %swap3A_511, %swap3A_512] {strides = array<i32>} : memref<4x200x64xf32, #tpu.memory_space<vmem>>, vector<1x1x16xf32>,
        %swap3A_514 = vector.shape_cast %swap3A_513 : vector<1x1x16xf32> to vector<16xf32>
        %swap3A_515 = vector.shape_cast %get3A_508 : vector<16xf32> to vector<1x1x16xf32>
        tpu.vector_store %arg9[%swap3A_510, %swap3A_511, %swap3A_512], %swap3A_515 {add = true, strides = array<i32>} : memref<4x200x64xf32, #tpu.memory_space<vmem>>, vector<1x1x16xf32>,
        %swap3A_516 = arith.constant 1 : i32
        %swap3A_517 = arith.index_cast %swap3A_516 : i32 to index
        %swap3A_518 = arith.index_cast %scan3A_410 : i32 to index
        %swap3A_519 = arith.constant 48 : index
        %swap3A_520 = tpu.vector_load %arg9[%swap3A_517, %swap3A_518, %swap3A_519] {strides = array<i32>} : memref<4x200x64xf32, #tpu.memory_space<vmem>>, vector<1x1x16xf32>,
        %swap3A_521 = vector.shape_cast %swap3A_520 : vector<1x1x16xf32> to vector<16xf32>
        %swap3A_522 = vector.shape_cast %get3A_508 : vector<16xf32> to vector<1x1x16xf32>
        tpu.vector_store %arg9[%swap3A_517, %swap3A_518, %swap3A_519], %swap3A_522 {add = true, strides = array<i32>} : memref<4x200x64xf32, #tpu.memory_space<vmem>>, vector<1x1x16xf32>,
        %swap3A_523 = arith.constant 2 : i32
        %swap3A_524 = arith.index_cast %swap3A_523 : i32 to index
        %swap3A_525 = arith.index_cast %scan3A_410 : i32 to index
        %swap3A_526 = arith.constant 48 : index
        %swap3A_527 = tpu.vector_load %arg9[%swap3A_524, %swap3A_525, %swap3A_526] {strides = array<i32>} : memref<4x200x64xf32, #tpu.memory_space<vmem>>, vector<1x1x16xf32>,
        %swap3A_528 = vector.shape_cast %swap3A_527 : vector<1x1x16xf32> to vector<16xf32>
        %swap3A_529 = vector.shape_cast %get3A_508 : vector<16xf32> to vector<1x1x16xf32>
        tpu.vector_store %arg9[%swap3A_524, %swap3A_525, %swap3A_526], %swap3A_529 {add = true, strides = array<i32>} : memref<4x200x64xf32, #tpu.memory_space<vmem>>, vector<1x1x16xf32>,
        %swap3A_530 = arith.constant 3 : i32
        %swap3A_531 = arith.index_cast %swap3A_530 : i32 to index
        %swap3A_532 = arith.index_cast %scan3A_410 : i32 to index
        %swap3A_533 = arith.constant 48 : index
        %swap3A_534 = tpu.vector_load %arg9[%swap3A_531, %swap3A_532, %swap3A_533] {strides = array<i32>} : memref<4x200x64xf32, #tpu.memory_space<vmem>>, vector<1x1x16xf32>,
        %swap3A_535 = vector.shape_cast %swap3A_534 : vector<1x1x16xf32> to vector<16xf32>
        %swap3A_536 = vector.shape_cast %get3A_508 : vector<16xf32> to vector<1x1x16xf32>
        tpu.vector_store %arg9[%swap3A_531, %swap3A_532, %swap3A_533], %swap3A_536 {add = true, strides = array<i32>} : memref<4x200x64xf32, #tpu.memory_space<vmem>>, vector<1x1x16xf32>,
      }
      %scan3A_254 = arith.constant 200 : i32
      %mul3A_255 = arith.constant 4 : i32
      %mul3A_256 = arith.muli %add3A_124, %mul3A_255 : i32
      %add3A_257 = arith.addi %mul3A_2, %mul3A_256 : i32
      %dma_start3A_258 = arith.constant 0 : i32
      %dma_start3A_259 = arith.constant 0 : i32
      %dma_start3A_260 = tpu.memref_slice %arg5[%add3A_257, %dma_start3A_258, %dma_start3A_259] : memref<4096x200x64xf32, #tpu.memory_space<hbm>> -> memref<4x200x64xf32, #tpu.memory_space<hbm>>
      %dma_start3A_261 = arith.constant 0 : i32
      %dma_start3A_262 = arith.constant 0 : i32
      %dma_start3A_263 = tpu.memref_slice %arg5[%add3A_257, %dma_start3A_261, %dma_start3A_262] : memref<4096x200x64xf32, #tpu.memory_space<hbm>> -> memref<4x200x64xf32, #tpu.memory_space<hbm>>
      tpu.enqueue_dma source(%arg9 : memref<4x200x64xf32, #tpu.memory_space<vmem>>) target(%dma_start3A_263 : memref<4x200x64xf32, #tpu.memory_space<hbm>>) target_semaphore(%arg12 : memref<!tpu.dma_semaphore, #tpu.memory_space<semaphore_mem>>)
      %mul3A_264 = arith.constant 2 : i32
      %mul3A_265 = arith.muli %mul3A_264, %scan3A_120 : i32
      %add3A_266 = arith.constant 1 : i32
      %add3A_267 = arith.addi %mul3A_265, %add3A_266 : i32
      %dma_wait3A_268 = arith.constant 0 : i32
      %dma_wait3A_269 = arith.constant 0 : i32
      %dma_wait3A_270 = arith.constant 0 : i32
      %dma_wait3A_271 = tpu.memref_slice %arg10[%dma_wait3A_268, %dma_wait3A_269, %dma_wait3A_270] : memref<4x200x64xf32, #tpu.memory_space<vmem>> -> memref<1x128x64xf32, #tpu.memory_space<vmem>>
      %dma_wait3A_272 = tpu.memref_squeeze %dma_wait3A_271 : memref<1x128x64xf32, #tpu.memory_space<vmem>> -> memref<128x64xf32, #tpu.memory_space<vmem>>
      %dma_wait3A_273 = arith.constant 0 : i32
      %dma_wait3A_274 = arith.constant 0 : i32
      %dma_wait3A_275 = tpu.memref_slice %arg3[%dma_wait3A_273, %dma_wait3A_274] : memref<1000000x64xf32, #tpu.memory_space<hbm>> -> memref<128x64xf32, #tpu.memory_space<hbm>>
      %dma_wait3A_276 = arith.constant 0 : i32
      %dma_wait3A_277 = arith.constant 0 : i32
      %dma_wait3A_278 = tpu.memref_slice %arg10[%dma_wait3A_268, %dma_wait3A_276, %dma_wait3A_277] : memref<4x200x64xf32, #tpu.memory_space<vmem>> -> memref<1x128x64xf32, #tpu.memory_space<vmem>>
      %dma_wait3A_279 = tpu.memref_squeeze %dma_wait3A_278 : memref<1x128x64xf32, #tpu.memory_space<vmem>> -> memref<128x64xf32, #tpu.memory_space<vmem>>
      %dma_wait3A_280 = arith.constant 0 : i32
      %dma_wait3A_281 = arith.constant 0 : i32
      %dma_wait3A_282 = tpu.memref_slice %arg3[%dma_wait3A_280, %dma_wait3A_281] : memref<1000000x64xf32, #tpu.memory_space<hbm>> -> memref<128x64xf32, #tpu.memory_space<hbm>>
      tpu.wait_dma2 semaphore(%arg11 : memref<!tpu.dma_semaphore, #tpu.memory_space<semaphore_mem>>) src(%dma_wait3A_282 : memref<128x64xf32, #tpu.memory_space<hbm>>) dst(%dma_wait3A_279 : memref<128x64xf32, #tpu.memory_space<vmem>>)
      %dma_wait3A_283 = arith.constant 0 : i32
      %dma_wait3A_284 = arith.constant 128 : i32
      %dma_wait3A_285 = arith.constant 0 : i32
      %dma_wait3A_286 = tpu.memref_slice %arg10[%dma_wait3A_283, %dma_wait3A_284, %dma_wait3A_285] : memref<4x200x64xf32, #tpu.memory_space<vmem>> -> memref<1x72x64xf32, #tpu.memory_space<vmem>>
      %dma_wait3A_287 = tpu.memref_squeeze %dma_wait3A_286 : memref<1x72x64xf32, #tpu.memory_space<vmem>> -> memref<72x64xf32, #tpu.memory_space<vmem>>
      %dma_wait3A_288 = arith.constant 0 : i32
      %dma_wait3A_289 = arith.constant 0 : i32
      %dma_wait3A_290 = tpu.memref_slice %arg3[%dma_wait3A_288, %dma_wait3A_289] : memref<1000000x64xf32, #tpu.memory_space<hbm>> -> memref<72x64xf32, #tpu.memory_space<hbm>>
      %dma_wait3A_291 = arith.constant 128 : i32
      %dma_wait3A_292 = arith.constant 0 : i32
      %dma_wait3A_293 = tpu.memref_slice %arg10[%dma_wait3A_283, %dma_wait3A_291, %dma_wait3A_292] : memref<4x200x64xf32, #tpu.memory_space<vmem>> -> memref<1x72x64xf32, #tpu.memory_space<vmem>>
      %dma_wait3A_294 = tpu.memref_squeeze %dma_wait3A_293 : memref<1x72x64xf32, #tpu.memory_space<vmem>> -> memref<72x64xf32, #tpu.memory_space<vmem>>
      %dma_wait3A_295 = arith.constant 0 : i32
      %dma_wait3A_296 = arith.constant 0 : i32
      %dma_wait3A_297 = tpu.memref_slice %arg3[%dma_wait3A_295, %dma_wait3A_296] : memref<1000000x64xf32, #tpu.memory_space<hbm>> -> memref<72x64xf32, #tpu.memory_space<hbm>>
      tpu.wait_dma2 semaphore(%arg11 : memref<!tpu.dma_semaphore, #tpu.memory_space<semaphore_mem>>) src(%dma_wait3A_297 : memref<72x64xf32, #tpu.memory_space<hbm>>) dst(%dma_wait3A_294 : memref<72x64xf32, #tpu.memory_space<vmem>>)
      %dma_wait3A_298 = arith.constant 1 : i32
      %dma_wait3A_299 = arith.constant 0 : i32
      %dma_wait3A_300 = arith.constant 0 : i32
      %dma_wait3A_301 = tpu.memref_slice %arg10[%dma_wait3A_298, %dma_wait3A_299, %dma_wait3A_300] : memref<4x200x64xf32, #tpu.memory_space<vmem>> -> memref<1x128x64xf32, #tpu.memory_space<vmem>>
      %dma_wait3A_302 = tpu.memref_squeeze %dma_wait3A_301 : memref<1x128x64xf32, #tpu.memory_space<vmem>> -> memref<128x64xf32, #tpu.memory_space<vmem>>
      %dma_wait3A_303 = arith.constant 0 : i32
      %dma_wait3A_304 = arith.constant 0 : i32
      %dma_wait3A_305 = tpu.memref_slice %arg3[%dma_wait3A_303, %dma_wait3A_304] : memref<1000000x64xf32, #tpu.memory_space<hbm>> -> memref<128x64xf32, #tpu.memory_space<hbm>>
      %dma_wait3A_306 = arith.constant 0 : i32
      %dma_wait3A_307 = arith.constant 0 : i32
      %dma_wait3A_308 = tpu.memref_slice %arg10[%dma_wait3A_298, %dma_wait3A_306, %dma_wait3A_307] : memref<4x200x64xf32, #tpu.memory_space<vmem>> -> memref<1x128x64xf32, #tpu.memory_space<vmem>>
      %dma_wait3A_309 = tpu.memref_squeeze %dma_wait3A_308 : memref<1x128x64xf32, #tpu.memory_space<vmem>> -> memref<128x64xf32, #tpu.memory_space<vmem>>
      %dma_wait3A_310 = arith.constant 0 : i32
      %dma_wait3A_311 = arith.constant 0 : i32
      %dma_wait3A_312 = tpu.memref_slice %arg3[%dma_wait3A_310, %dma_wait3A_311] : memref<1000000x64xf32, #tpu.memory_space<hbm>> -> memref<128x64xf32, #tpu.memory_space<hbm>>
      tpu.wait_dma2 semaphore(%arg11 : memref<!tpu.dma_semaphore, #tpu.memory_space<semaphore_mem>>) src(%dma_wait3A_312 : memref<128x64xf32, #tpu.memory_space<hbm>>) dst(%dma_wait3A_309 : memref<128x64xf32, #tpu.memory_space<vmem>>)
      %dma_wait3A_313 = arith.constant 1 : i32
      %dma_wait3A_314 = arith.constant 128 : i32
      %dma_wait3A_315 = arith.constant 0 : i32
      %dma_wait3A_316 = tpu.memref_slice %arg10[%dma_wait3A_313, %dma_wait3A_314, %dma_wait3A_315] : memref<4x200x64xf32, #tpu.memory_space<vmem>> -> memref<1x72x64xf32, #tpu.memory_space<vmem>>
      %dma_wait3A_317 = tpu.memref_squeeze %dma_wait3A_316 : memref<1x72x64xf32, #tpu.memory_space<vmem>> -> memref<72x64xf32, #tpu.memory_space<vmem>>
      %dma_wait3A_318 = arith.constant 0 : i32
      %dma_wait3A_319 = arith.constant 0 : i32
      %dma_wait3A_320 = tpu.memref_slice %arg3[%dma_wait3A_318, %dma_wait3A_319] : memref<1000000x64xf32, #tpu.memory_space<hbm>> -> memref<72x64xf32, #tpu.memory_space<hbm>>
      %dma_wait3A_321 = arith.constant 128 : i32
      %dma_wait3A_322 = arith.constant 0 : i32
      %dma_wait3A_323 = tpu.memref_slice %arg10[%dma_wait3A_313, %dma_wait3A_321, %dma_wait3A_322] : memref<4x200x64xf32, #tpu.memory_space<vmem>> -> memref<1x72x64xf32, #tpu.memory_space<vmem>>
      %dma_wait3A_324 = tpu.memref_squeeze %dma_wait3A_323 : memref<1x72x64xf32, #tpu.memory_space<vmem>> -> memref<72x64xf32, #tpu.memory_space<vmem>>
      %dma_wait3A_325 = arith.constant 0 : i32
      %dma_wait3A_326 = arith.constant 0 : i32
      %dma_wait3A_327 = tpu.memref_slice %arg3[%dma_wait3A_325, %dma_wait3A_326] : memref<1000000x64xf32, #tpu.memory_space<hbm>> -> memref<72x64xf32, #tpu.memory_space<hbm>>
      tpu.wait_dma2 semaphore(%arg11 : memref<!tpu.dma_semaphore, #tpu.memory_space<semaphore_mem>>) src(%dma_wait3A_327 : memref<72x64xf32, #tpu.memory_space<hbm>>) dst(%dma_wait3A_324 : memref<72x64xf32, #tpu.memory_space<vmem>>)
      %dma_wait3A_328 = arith.constant 2 : i32
      %dma_wait3A_329 = arith.constant 0 : i32
      %dma_wait3A_330 = arith.constant 0 : i32
      %dma_wait3A_331 = tpu.memref_slice %arg10[%dma_wait3A_328, %dma_wait3A_329, %dma_wait3A_330] : memref<4x200x64xf32, #tpu.memory_space<vmem>> -> memref<1x128x64xf32, #tpu.memory_space<vmem>>
      %dma_wait3A_332 = tpu.memref_squeeze %dma_wait3A_331 : memref<1x128x64xf32, #tpu.memory_space<vmem>> -> memref<128x64xf32, #tpu.memory_space<vmem>>
      %dma_wait3A_333 = arith.constant 0 : i32
      %dma_wait3A_334 = arith.constant 0 : i32
      %dma_wait3A_335 = tpu.memref_slice %arg3[%dma_wait3A_333, %dma_wait3A_334] : memref<1000000x64xf32, #tpu.memory_space<hbm>> -> memref<128x64xf32, #tpu.memory_space<hbm>>
      %dma_wait3A_336 = arith.constant 0 : i32
      %dma_wait3A_337 = arith.constant 0 : i32
      %dma_wait3A_338 = tpu.memref_slice %arg10[%dma_wait3A_328, %dma_wait3A_336, %dma_wait3A_337] : memref<4x200x64xf32, #tpu.memory_space<vmem>> -> memref<1x128x64xf32, #tpu.memory_space<vmem>>
      %dma_wait3A_339 = tpu.memref_squeeze %dma_wait3A_338 : memref<1x128x64xf32, #tpu.memory_space<vmem>> -> memref<128x64xf32, #tpu.memory_space<vmem>>
      %dma_wait3A_340 = arith.constant 0 : i32
      %dma_wait3A_341 = arith.constant 0 : i32
      %dma_wait3A_342 = tpu.memref_slice %arg3[%dma_wait3A_340, %dma_wait3A_341] : memref<1000000x64xf32, #tpu.memory_space<hbm>> -> memref<128x64xf32, #tpu.memory_space<hbm>>
      tpu.wait_dma2 semaphore(%arg11 : memref<!tpu.dma_semaphore, #tpu.memory_space<semaphore_mem>>) src(%dma_wait3A_342 : memref<128x64xf32, #tpu.memory_space<hbm>>) dst(%dma_wait3A_339 : memref<128x64xf32, #tpu.memory_space<vmem>>)
      %dma_wait3A_343 = arith.constant 2 : i32
      %dma_wait3A_344 = arith.constant 128 : i32
      %dma_wait3A_345 = arith.constant 0 : i32
      %dma_wait3A_346 = tpu.memref_slice %arg10[%dma_wait3A_343, %dma_wait3A_344, %dma_wait3A_345] : memref<4x200x64xf32, #tpu.memory_space<vmem>> -> memref<1x72x64xf32, #tpu.memory_space<vmem>>
      %dma_wait3A_347 = tpu.memref_squeeze %dma_wait3A_346 : memref<1x72x64xf32, #tpu.memory_space<vmem>> -> memref<72x64xf32, #tpu.memory_space<vmem>>
      %dma_wait3A_348 = arith.constant 0 : i32
      %dma_wait3A_349 = arith.constant 0 : i32
      %dma_wait3A_350 = tpu.memref_slice %arg3[%dma_wait3A_348, %dma_wait3A_349] : memref<1000000x64xf32, #tpu.memory_space<hbm>> -> memref<72x64xf32, #tpu.memory_space<hbm>>
      %dma_wait3A_351 = arith.constant 128 : i32
      %dma_wait3A_352 = arith.constant 0 : i32
      %dma_wait3A_353 = tpu.memref_slice %arg10[%dma_wait3A_343, %dma_wait3A_351, %dma_wait3A_352] : memref<4x200x64xf32, #tpu.memory_space<vmem>> -> memref<1x72x64xf32, #tpu.memory_space<vmem>>
      %dma_wait3A_354 = tpu.memref_squeeze %dma_wait3A_353 : memref<1x72x64xf32, #tpu.memory_space<vmem>> -> memref<72x64xf32, #tpu.memory_space<vmem>>
      %dma_wait3A_355 = arith.constant 0 : i32
      %dma_wait3A_356 = arith.constant 0 : i32
      %dma_wait3A_357 = tpu.memref_slice %arg3[%dma_wait3A_355, %dma_wait3A_356] : memref<1000000x64xf32, #tpu.memory_space<hbm>> -> memref<72x64xf32, #tpu.memory_space<hbm>>
      tpu.wait_dma2 semaphore(%arg11 : memref<!tpu.dma_semaphore, #tpu.memory_space<semaphore_mem>>) src(%dma_wait3A_357 : memref<72x64xf32, #tpu.memory_space<hbm>>) dst(%dma_wait3A_354 : memref<72x64xf32, #tpu.memory_space<vmem>>)
      %dma_wait3A_358 = arith.constant 3 : i32
      %dma_wait3A_359 = arith.constant 0 : i32
      %dma_wait3A_360 = arith.constant 0 : i32
      %dma_wait3A_361 = tpu.memref_slice %arg10[%dma_wait3A_358, %dma_wait3A_359, %dma_wait3A_360] : memref<4x200x64xf32, #tpu.memory_space<vmem>> -> memref<1x128x64xf32, #tpu.memory_space<vmem>>
      %dma_wait3A_362 = tpu.memref_squeeze %dma_wait3A_361 : memref<1x128x64xf32, #tpu.memory_space<vmem>> -> memref<128x64xf32, #tpu.memory_space<vmem>>
      %dma_wait3A_363 = arith.constant 0 : i32
      %dma_wait3A_364 = arith.constant 0 : i32
      %dma_wait3A_365 = tpu.memref_slice %arg3[%dma_wait3A_363, %dma_wait3A_364] : memref<1000000x64xf32, #tpu.memory_space<hbm>> -> memref<128x64xf32, #tpu.memory_space<hbm>>
      %dma_wait3A_366 = arith.constant 0 : i32
      %dma_wait3A_367 = arith.constant 0 : i32
      %dma_wait3A_368 = tpu.memref_slice %arg10[%dma_wait3A_358, %dma_wait3A_366, %dma_wait3A_367] : memref<4x200x64xf32, #tpu.memory_space<vmem>> -> memref<1x128x64xf32, #tpu.memory_space<vmem>>
      %dma_wait3A_369 = tpu.memref_squeeze %dma_wait3A_368 : memref<1x128x64xf32, #tpu.memory_space<vmem>> -> memref<128x64xf32, #tpu.memory_space<vmem>>
      %dma_wait3A_370 = arith.constant 0 : i32
      %dma_wait3A_371 = arith.constant 0 : i32
      %dma_wait3A_372 = tpu.memref_slice %arg3[%dma_wait3A_370, %dma_wait3A_371] : memref<1000000x64xf32, #tpu.memory_space<hbm>> -> memref<128x64xf32, #tpu.memory_space<hbm>>
      tpu.wait_dma2 semaphore(%arg11 : memref<!tpu.dma_semaphore, #tpu.memory_space<semaphore_mem>>) src(%dma_wait3A_372 : memref<128x64xf32, #tpu.memory_space<hbm>>) dst(%dma_wait3A_369 : memref<128x64xf32, #tpu.memory_space<vmem>>)
      %dma_wait3A_373 = arith.constant 3 : i32
      %dma_wait3A_374 = arith.constant 128 : i32
      %dma_wait3A_375 = arith.constant 0 : i32
      %dma_wait3A_376 = tpu.memref_slice %arg10[%dma_wait3A_373, %dma_wait3A_374, %dma_wait3A_375] : memref<4x200x64xf32, #tpu.memory_space<vmem>> -> memref<1x72x64xf32, #tpu.memory_space<vmem>>
      %dma_wait3A_377 = tpu.memref_squeeze %dma_wait3A_376 : memref<1x72x64xf32, #tpu.memory_space<vmem>> -> memref<72x64xf32, #tpu.memory_space<vmem>>
      %dma_wait3A_378 = arith.constant 0 : i32
      %dma_wait3A_379 = arith.constant 0 : i32
      %dma_wait3A_380 = tpu.memref_slice %arg3[%dma_wait3A_378, %dma_wait3A_379] : memref<1000000x64xf32, #tpu.memory_space<hbm>> -> memref<72x64xf32, #tpu.memory_space<hbm>>
      %dma_wait3A_381 = arith.constant 128 : i32
      %dma_wait3A_382 = arith.constant 0 : i32
      %dma_wait3A_383 = tpu.memref_slice %arg10[%dma_wait3A_373, %dma_wait3A_381, %dma_wait3A_382] : memref<4x200x64xf32, #tpu.memory_space<vmem>> -> memref<1x72x64xf32, #tpu.memory_space<vmem>>
      %dma_wait3A_384 = tpu.memref_squeeze %dma_wait3A_383 : memref<1x72x64xf32, #tpu.memory_space<vmem>> -> memref<72x64xf32, #tpu.memory_space<vmem>>
      %dma_wait3A_385 = arith.constant 0 : i32
      %dma_wait3A_386 = arith.constant 0 : i32
      %dma_wait3A_387 = tpu.memref_slice %arg3[%dma_wait3A_385, %dma_wait3A_386] : memref<1000000x64xf32, #tpu.memory_space<hbm>> -> memref<72x64xf32, #tpu.memory_space<hbm>>
      tpu.wait_dma2 semaphore(%arg11 : memref<!tpu.dma_semaphore, #tpu.memory_space<semaphore_mem>>) src(%dma_wait3A_387 : memref<72x64xf32, #tpu.memory_space<hbm>>) dst(%dma_wait3A_384 : memref<72x64xf32, #tpu.memory_space<vmem>>)
      %add3A_388 = arith.constant 1 : i32
      %add3A_389 = arith.addi %add3A_267, %add3A_388 : i32
      %lt3A_390 = arith.constant 32 : i32
      %lt3A_391 = arith.cmpi slt, %add3A_389, %lt3A_390 : i32
      %convert_element_type3A_392 = arith.extui %lt3A_391 : i1 to i32
      %cond3A_393 = arith.constant 0 : i32
      %cond3A_394 = arith.cmpi ne, %convert_element_type3A_392, %cond3A_393 : i32
      scf.if %cond3A_394 {
        %ge3A = arith.constant 1 : i32
        %ge3A_410 = arith.cmpi sge, %add3A_267, %ge3A : i32
        %convert_element_type3A_411 = arith.extui %ge3A_410 : i1 to i32
        %cond3A_412 = arith.constant 0 : i32
        %cond3A_413 = arith.cmpi ne, %convert_element_type3A_411, %cond3A_412 : i32
        scf.if %cond3A_413 {
          %sub3A = arith.constant 1 : i32
          %sub3A_515 = arith.subi %add3A_267, %sub3A : i32
          %mul3A_516 = arith.constant 4 : i32
          %mul3A_517 = arith.muli %sub3A_515, %mul3A_516 : i32
          %add3A_518 = arith.addi %mul3A_2, %mul3A_517 : i32
          %dma_wait3A_519 = arith.constant 0 : i32
          %dma_wait3A_520 = arith.constant 0 : i32
          %dma_wait3A_521 = tpu.memref_slice %arg5[%add3A_518, %dma_wait3A_519, %dma_wait3A_520] : memref<4096x200x64xf32, #tpu.memory_space<hbm>> -> memref<4x200x64xf32, #tpu.memory_space<hbm>>
          %dma_wait3A_522 = arith.constant 0 : i32
          %dma_wait3A_523 = arith.constant 0 : i32
          %dma_wait3A_524 = tpu.memref_slice %arg5[%add3A_518, %dma_wait3A_522, %dma_wait3A_523] : memref<4096x200x64xf32, #tpu.memory_space<hbm>> -> memref<4x200x64xf32, #tpu.memory_space<hbm>>
          tpu.wait_dma2 semaphore(%arg12 : memref<!tpu.dma_semaphore, #tpu.memory_space<semaphore_mem>>) src(%arg9 : memref<4x200x64xf32, #tpu.memory_space<vmem>>) dst(%dma_wait3A_524 : memref<4x200x64xf32, #tpu.memory_space<hbm>>)
        } else {
        }
        %add3A_414 = arith.constant 1 : i32
        %add3A_415 = arith.addi %add3A_267, %add3A_414 : i32
        %mul3A_416 = arith.constant 4 : i32
        %mul3A_417 = arith.muli %add3A_415, %mul3A_416 : i32
        %add3A_418 = arith.addi %mul3A_2, %mul3A_417 : i32
        "tpu.region"() ({
          %run_scoped3A = tpu.sem_alloc : memref<!tpu.dma_semaphore, #tpu.memory_space<semaphore_mem>>
          %dma_start3A_515 = arith.constant 0 : i32
          %dma_start3A_516 = tpu.memref_slice %arg2[%add3A_418, %dma_start3A_515] : memref<4096x200xi32, #tpu.memory_space<hbm>> -> memref<4x200xi32, #tpu.memory_space<hbm>>
          %dma_start3A_517 = arith.constant 0 : i32
          %dma_start3A_518 = tpu.memref_slice %arg2[%add3A_418, %dma_start3A_517] : memref<4096x200xi32, #tpu.memory_space<hbm>> -> memref<4x200xi32, #tpu.memory_space<hbm>>
          tpu.enqueue_dma source(%dma_start3A_518 : memref<4x200xi32, #tpu.memory_space<hbm>>) target(%arg7 : memref<4x200xi32, #tpu.memory_space<vmem>>) target_semaphore(%run_scoped3A : memref<!tpu.dma_semaphore, #tpu.memory_space<semaphore_mem>>)
          %dma_wait3A_519 = arith.constant 0 : i32
          %dma_wait3A_520 = tpu.memref_slice %arg2[%add3A_418, %dma_wait3A_519] : memref<4096x200xi32, #tpu.memory_space<hbm>> -> memref<4x200xi32, #tpu.memory_space<hbm>>
          %dma_wait3A_521 = arith.constant 0 : i32
          %dma_wait3A_522 = tpu.memref_slice %arg2[%add3A_418, %dma_wait3A_521] : memref<4096x200xi32, #tpu.memory_space<hbm>> -> memref<4x200xi32, #tpu.memory_space<hbm>>
          tpu.wait_dma2 semaphore(%run_scoped3A : memref<!tpu.dma_semaphore, #tpu.memory_space<semaphore_mem>>) src(%dma_wait3A_522 : memref<4x200xi32, #tpu.memory_space<hbm>>) dst(%arg7 : memref<4x200xi32, #tpu.memory_space<vmem>>)
          tpu.yield
        }) : () -> ()
        %dma_start3A_419 = arith.constant 0 : i32
        %dma_start3A_420 = arith.constant 0 : i32
        %dma_start3A_421 = arith.constant 0 : i32
        %dma_start3A_422 = arith.constant 0 : i32
        %dma_start3A_423 = tpu.memref_slice %arg9[%dma_start3A_420, %dma_start3A_421, %dma_start3A_422] : memref<4x200x64xf32, #tpu.memory_space<vmem>> -> memref<1x128x64xf32, #tpu.memory_space<vmem>>
        %dma_start3A_424 = tpu.memref_squeeze %dma_start3A_423 : memref<1x128x64xf32, #tpu.memory_space<vmem>> -> memref<128x64xf32, #tpu.memory_space<vmem>>
        %dma_start3A_425 = arith.constant 0 : i32
        %dma_start3A_426 = tpu.memref_slice %arg7[%dma_start3A_419, %dma_start3A_425] : memref<4x200xi32, #tpu.memory_space<vmem>> -> memref<1x128xi32, #tpu.memory_space<vmem>>
        %dma_start3A_427 = tpu.memref_squeeze %dma_start3A_426 : memref<1x128xi32, #tpu.memory_space<vmem>> -> memref<128xi32, #tpu.memory_space<vmem>>
        %dma_start3A_428 = arith.constant 0 : i32
        %dma_start3A_429 = arith.constant 0 : i32
        %dma_start3A_430 = tpu.memref_slice %arg3[%dma_start3A_428, %dma_start3A_429] : memref<1000000x64xf32, #tpu.memory_space<hbm>> -> memref<1000000x64xf32, #tpu.memory_space<hbm>>
        tpu.enqueue_indirect_dma source(%dma_start3A_430 : memref<1000000x64xf32, #tpu.memory_space<hbm>>) target(%dma_start3A_424 : memref<128x64xf32, #tpu.memory_space<vmem>>) offsets(%dma_start3A_427 : memref<128xi32, #tpu.memory_space<vmem>>) semaphore(%arg11 : memref<!tpu.dma_semaphore, #tpu.memory_space<semaphore_mem>>)
        %dma_start3A_431 = arith.constant 0 : i32
        %dma_start3A_432 = arith.constant 0 : i32
        %dma_start3A_433 = arith.constant 128 : i32
        %dma_start3A_434 = arith.constant 0 : i32
        %dma_start3A_435 = tpu.memref_slice %arg9[%dma_start3A_432, %dma_start3A_433, %dma_start3A_434] : memref<4x200x64xf32, #tpu.memory_space<vmem>> -> memref<1x72x64xf32, #tpu.memory_space<vmem>>
        %dma_start3A_436 = tpu.memref_squeeze %dma_start3A_435 : memref<1x72x64xf32, #tpu.memory_space<vmem>> -> memref<72x64xf32, #tpu.memory_space<vmem>>
        %dma_start3A_437 = arith.constant 128 : i32
        %dma_start3A_438 = tpu.memref_slice %arg7[%dma_start3A_431, %dma_start3A_437] : memref<4x200xi32, #tpu.memory_space<vmem>> -> memref<1x72xi32, #tpu.memory_space<vmem>>
        %dma_start3A_439 = tpu.memref_squeeze %dma_start3A_438 : memref<1x72xi32, #tpu.memory_space<vmem>> -> memref<72xi32, #tpu.memory_space<vmem>>
        %dma_start3A_440 = arith.constant 0 : i32
        %dma_start3A_441 = arith.constant 0 : i32
        %dma_start3A_442 = tpu.memref_slice %arg3[%dma_start3A_440, %dma_start3A_441] : memref<1000000x64xf32, #tpu.memory_space<hbm>> -> memref<1000000x64xf32, #tpu.memory_space<hbm>>
        tpu.enqueue_indirect_dma source(%dma_start3A_442 : memref<1000000x64xf32, #tpu.memory_space<hbm>>) target(%dma_start3A_436 : memref<72x64xf32, #tpu.memory_space<vmem>>) offsets(%dma_start3A_439 : memref<72xi32, #tpu.memory_space<vmem>>) semaphore(%arg11 : memref<!tpu.dma_semaphore, #tpu.memory_space<semaphore_mem>>)
        %dma_start3A_443 = arith.constant 1 : i32
        %dma_start3A_444 = arith.constant 1 : i32
        %dma_start3A_445 = arith.constant 0 : i32
        %dma_start3A_446 = arith.constant 0 : i32
        %dma_start3A_447 = tpu.memref_slice %arg9[%dma_start3A_444, %dma_start3A_445, %dma_start3A_446] : memref<4x200x64xf32, #tpu.memory_space<vmem>> -> memref<1x128x64xf32, #tpu.memory_space<vmem>>
        %dma_start3A_448 = tpu.memref_squeeze %dma_start3A_447 : memref<1x128x64xf32, #tpu.memory_space<vmem>> -> memref<128x64xf32, #tpu.memory_space<vmem>>
        %dma_start3A_449 = arith.constant 0 : i32
        %dma_start3A_450 = tpu.memref_slice %arg7[%dma_start3A_443, %dma_start3A_449] : memref<4x200xi32, #tpu.memory_space<vmem>> -> memref<1x128xi32, #tpu.memory_space<vmem>>
        %dma_start3A_451 = tpu.memref_squeeze %dma_start3A_450 : memref<1x128xi32, #tpu.memory_space<vmem>> -> memref<128xi32, #tpu.memory_space<vmem>>
        %dma_start3A_452 = arith.constant 0 : i32
        %dma_start3A_453 = arith.constant 0 : i32
        %dma_start3A_454 = tpu.memref_slice %arg3[%dma_start3A_452, %dma_start3A_453] : memref<1000000x64xf32, #tpu.memory_space<hbm>> -> memref<1000000x64xf32, #tpu.memory_space<hbm>>
        tpu.enqueue_indirect_dma source(%dma_start3A_454 : memref<1000000x64xf32, #tpu.memory_space<hbm>>) target(%dma_start3A_448 : memref<128x64xf32, #tpu.memory_space<vmem>>) offsets(%dma_start3A_451 : memref<128xi32, #tpu.memory_space<vmem>>) semaphore(%arg11 : memref<!tpu.dma_semaphore, #tpu.memory_space<semaphore_mem>>)
        %dma_start3A_455 = arith.constant 1 : i32
        %dma_start3A_456 = arith.constant 1 : i32
        %dma_start3A_457 = arith.constant 128 : i32
        %dma_start3A_458 = arith.constant 0 : i32
        %dma_start3A_459 = tpu.memref_slice %arg9[%dma_start3A_456, %dma_start3A_457, %dma_start3A_458] : memref<4x200x64xf32, #tpu.memory_space<vmem>> -> memref<1x72x64xf32, #tpu.memory_space<vmem>>
        %dma_start3A_460 = tpu.memref_squeeze %dma_start3A_459 : memref<1x72x64xf32, #tpu.memory_space<vmem>> -> memref<72x64xf32, #tpu.memory_space<vmem>>
        %dma_start3A_461 = arith.constant 128 : i32
        %dma_start3A_462 = tpu.memref_slice %arg7[%dma_start3A_455, %dma_start3A_461] : memref<4x200xi32, #tpu.memory_space<vmem>> -> memref<1x72xi32, #tpu.memory_space<vmem>>
        %dma_start3A_463 = tpu.memref_squeeze %dma_start3A_462 : memref<1x72xi32, #tpu.memory_space<vmem>> -> memref<72xi32, #tpu.memory_space<vmem>>
        %dma_start3A_464 = arith.constant 0 : i32
        %dma_start3A_465 = arith.constant 0 : i32
        %dma_start3A_466 = tpu.memref_slice %arg3[%dma_start3A_464, %dma_start3A_465] : memref<1000000x64xf32, #tpu.memory_space<hbm>> -> memref<1000000x64xf32, #tpu.memory_space<hbm>>
        tpu.enqueue_indirect_dma source(%dma_start3A_466 : memref<1000000x64xf32, #tpu.memory_space<hbm>>) target(%dma_start3A_460 : memref<72x64xf32, #tpu.memory_space<vmem>>) offsets(%dma_start3A_463 : memref<72xi32, #tpu.memory_space<vmem>>) semaphore(%arg11 : memref<!tpu.dma_semaphore, #tpu.memory_space<semaphore_mem>>)
        %dma_start3A_467 = arith.constant 2 : i32
        %dma_start3A_468 = arith.constant 2 : i32
        %dma_start3A_469 = arith.constant 0 : i32
        %dma_start3A_470 = arith.constant 0 : i32
        %dma_start3A_471 = tpu.memref_slice %arg9[%dma_start3A_468, %dma_start3A_469, %dma_start3A_470] : memref<4x200x64xf32, #tpu.memory_space<vmem>> -> memref<1x128x64xf32, #tpu.memory_space<vmem>>
        %dma_start3A_472 = tpu.memref_squeeze %dma_start3A_471 : memref<1x128x64xf32, #tpu.memory_space<vmem>> -> memref<128x64xf32, #tpu.memory_space<vmem>>
        %dma_start3A_473 = arith.constant 0 : i32
        %dma_start3A_474 = tpu.memref_slice %arg7[%dma_start3A_467, %dma_start3A_473] : memref<4x200xi32, #tpu.memory_space<vmem>> -> memref<1x128xi32, #tpu.memory_space<vmem>>
        %dma_start3A_475 = tpu.memref_squeeze %dma_start3A_474 : memref<1x128xi32, #tpu.memory_space<vmem>> -> memref<128xi32, #tpu.memory_space<vmem>>
        %dma_start3A_476 = arith.constant 0 : i32
        %dma_start3A_477 = arith.constant 0 : i32
        %dma_start3A_478 = tpu.memref_slice %arg3[%dma_start3A_476, %dma_start3A_477] : memref<1000000x64xf32, #tpu.memory_space<hbm>> -> memref<1000000x64xf32, #tpu.memory_space<hbm>>
        tpu.enqueue_indirect_dma source(%dma_start3A_478 : memref<1000000x64xf32, #tpu.memory_space<hbm>>) target(%dma_start3A_472 : memref<128x64xf32, #tpu.memory_space<vmem>>) offsets(%dma_start3A_475 : memref<128xi32, #tpu.memory_space<vmem>>) semaphore(%arg11 : memref<!tpu.dma_semaphore, #tpu.memory_space<semaphore_mem>>)
        %dma_start3A_479 = arith.constant 2 : i32
        %dma_start3A_480 = arith.constant 2 : i32
        %dma_start3A_481 = arith.constant 128 : i32
        %dma_start3A_482 = arith.constant 0 : i32
        %dma_start3A_483 = tpu.memref_slice %arg9[%dma_start3A_480, %dma_start3A_481, %dma_start3A_482] : memref<4x200x64xf32, #tpu.memory_space<vmem>> -> memref<1x72x64xf32, #tpu.memory_space<vmem>>
        %dma_start3A_484 = tpu.memref_squeeze %dma_start3A_483 : memref<1x72x64xf32, #tpu.memory_space<vmem>> -> memref<72x64xf32, #tpu.memory_space<vmem>>
        %dma_start3A_485 = arith.constant 128 : i32
        %dma_start3A_486 = tpu.memref_slice %arg7[%dma_start3A_479, %dma_start3A_485] : memref<4x200xi32, #tpu.memory_space<vmem>> -> memref<1x72xi32, #tpu.memory_space<vmem>>
        %dma_start3A_487 = tpu.memref_squeeze %dma_start3A_486 : memref<1x72xi32, #tpu.memory_space<vmem>> -> memref<72xi32, #tpu.memory_space<vmem>>
        %dma_start3A_488 = arith.constant 0 : i32
        %dma_start3A_489 = arith.constant 0 : i32
        %dma_start3A_490 = tpu.memref_slice %arg3[%dma_start3A_488, %dma_start3A_489] : memref<1000000x64xf32, #tpu.memory_space<hbm>> -> memref<1000000x64xf32, #tpu.memory_space<hbm>>
        tpu.enqueue_indirect_dma source(%dma_start3A_490 : memref<1000000x64xf32, #tpu.memory_space<hbm>>) target(%dma_start3A_484 : memref<72x64xf32, #tpu.memory_space<vmem>>) offsets(%dma_start3A_487 : memref<72xi32, #tpu.memory_space<vmem>>) semaphore(%arg11 : memref<!tpu.dma_semaphore, #tpu.memory_space<semaphore_mem>>)
        %dma_start3A_491 = arith.constant 3 : i32
        %dma_start3A_492 = arith.constant 3 : i32
        %dma_start3A_493 = arith.constant 0 : i32
        %dma_start3A_494 = arith.constant 0 : i32
        %dma_start3A_495 = tpu.memref_slice %arg9[%dma_start3A_492, %dma_start3A_493, %dma_start3A_494] : memref<4x200x64xf32, #tpu.memory_space<vmem>> -> memref<1x128x64xf32, #tpu.memory_space<vmem>>
        %dma_start3A_496 = tpu.memref_squeeze %dma_start3A_495 : memref<1x128x64xf32, #tpu.memory_space<vmem>> -> memref<128x64xf32, #tpu.memory_space<vmem>>
        %dma_start3A_497 = arith.constant 0 : i32
        %dma_start3A_498 = tpu.memref_slice %arg7[%dma_start3A_491, %dma_start3A_497] : memref<4x200xi32, #tpu.memory_space<vmem>> -> memref<1x128xi32, #tpu.memory_space<vmem>>
        %dma_start3A_499 = tpu.memref_squeeze %dma_start3A_498 : memref<1x128xi32, #tpu.memory_space<vmem>> -> memref<128xi32, #tpu.memory_space<vmem>>
        %dma_start3A_500 = arith.constant 0 : i32
        %dma_start3A_501 = arith.constant 0 : i32
        %dma_start3A_502 = tpu.memref_slice %arg3[%dma_start3A_500, %dma_start3A_501] : memref<1000000x64xf32, #tpu.memory_space<hbm>> -> memref<1000000x64xf32, #tpu.memory_space<hbm>>
        tpu.enqueue_indirect_dma source(%dma_start3A_502 : memref<1000000x64xf32, #tpu.memory_space<hbm>>) target(%dma_start3A_496 : memref<128x64xf32, #tpu.memory_space<vmem>>) offsets(%dma_start3A_499 : memref<128xi32, #tpu.memory_space<vmem>>) semaphore(%arg11 : memref<!tpu.dma_semaphore, #tpu.memory_space<semaphore_mem>>)
        %dma_start3A_503 = arith.constant 3 : i32
        %dma_start3A_504 = arith.constant 3 : i32
        %dma_start3A_505 = arith.constant 128 : i32
        %dma_start3A_506 = arith.constant 0 : i32
        %dma_start3A_507 = tpu.memref_slice %arg9[%dma_start3A_504, %dma_start3A_505, %dma_start3A_506] : memref<4x200x64xf32, #tpu.memory_space<vmem>> -> memref<1x72x64xf32, #tpu.memory_space<vmem>>
        %dma_start3A_508 = tpu.memref_squeeze %dma_start3A_507 : memref<1x72x64xf32, #tpu.memory_space<vmem>> -> memref<72x64xf32, #tpu.memory_space<vmem>>
        %dma_start3A_509 = arith.constant 128 : i32
        %dma_start3A_510 = tpu.memref_slice %arg7[%dma_start3A_503, %dma_start3A_509] : memref<4x200xi32, #tpu.memory_space<vmem>> -> memref<1x72xi32, #tpu.memory_space<vmem>>
        %dma_start3A_511 = tpu.memref_squeeze %dma_start3A_510 : memref<1x72xi32, #tpu.memory_space<vmem>> -> memref<72xi32, #tpu.memory_space<vmem>>
        %dma_start3A_512 = arith.constant 0 : i32
        %dma_start3A_513 = arith.constant 0 : i32
        %dma_start3A_514 = tpu.memref_slice %arg3[%dma_start3A_512, %dma_start3A_513] : memref<1000000x64xf32, #tpu.memory_space<hbm>> -> memref<1000000x64xf32, #tpu.memory_space<hbm>>
        tpu.enqueue_indirect_dma source(%dma_start3A_514 : memref<1000000x64xf32, #tpu.memory_space<hbm>>) target(%dma_start3A_508 : memref<72x64xf32, #tpu.memory_space<vmem>>) offsets(%dma_start3A_511 : memref<72xi32, #tpu.memory_space<vmem>>) semaphore(%arg11 : memref<!tpu.dma_semaphore, #tpu.memory_space<semaphore_mem>>)
      } else {
      }
      %scan3A_395 = arith.constant 0 : i32
      %scan3A_396 = arith.constant 0 : i32
      %scan3A_397 = arith.constant 200 : i32
      %scan3A_398 = arith.addi %scan3A_396, %scan3A_397 : i32
      %scan3A_399 = arith.constant 1 : i32
      scf.for %scan3A_410 = %scan3A_396 to %scan3A_398 step %scan3A_399  : i32 {
        %get3A = arith.index_cast %scan3A_410 : i32 to index
        %get3A_411 = arith.constant 0 : index
        %get3A_412 = tpu.vector_load %arg6[%get3A, %get3A_411] {strides = array<i32>} : memref<200x64xf32, #tpu.memory_space<vmem>>, vector<1x16xf32>,
        %get3A_413 = vector.shape_cast %get3A_412 : vector<1x16xf32> to vector<16xf32>
        %swap3A = arith.constant 0 : i32
        %swap3A_414 = arith.index_cast %swap3A : i32 to index
        %swap3A_415 = arith.index_cast %scan3A_410 : i32 to index
        %swap3A_416 = arith.constant 0 : index
        %swap3A_417 = tpu.vector_load %arg10[%swap3A_414, %swap3A_415, %swap3A_416] {strides = array<i32>} : memref<4x200x64xf32, #tpu.memory_space<vmem>>, vector<1x1x16xf32>,
        %swap3A_418 = vector.shape_cast %swap3A_417 : vector<1x1x16xf32> to vector<16xf32>
        %swap3A_419 = vector.shape_cast %get3A_413 : vector<16xf32> to vector<1x1x16xf32>
        tpu.vector_store %arg10[%swap3A_414, %swap3A_415, %swap3A_416], %swap3A_419 {add = true, strides = array<i32>} : memref<4x200x64xf32, #tpu.memory_space<vmem>>, vector<1x1x16xf32>,
        %swap3A_420 = arith.constant 1 : i32
        %swap3A_421 = arith.index_cast %swap3A_420 : i32 to index
        %swap3A_422 = arith.index_cast %scan3A_410 : i32 to index
        %swap3A_423 = arith.constant 0 : index
        %swap3A_424 = tpu.vector_load %arg10[%swap3A_421, %swap3A_422, %swap3A_423] {strides = array<i32>} : memref<4x200x64xf32, #tpu.memory_space<vmem>>, vector<1x1x16xf32>,
        %swap3A_425 = vector.shape_cast %swap3A_424 : vector<1x1x16xf32> to vector<16xf32>
        %swap3A_426 = vector.shape_cast %get3A_413 : vector<16xf32> to vector<1x1x16xf32>
        tpu.vector_store %arg10[%swap3A_421, %swap3A_422, %swap3A_423], %swap3A_426 {add = true, strides = array<i32>} : memref<4x200x64xf32, #tpu.memory_space<vmem>>, vector<1x1x16xf32>,
        %swap3A_427 = arith.constant 2 : i32
        %swap3A_428 = arith.index_cast %swap3A_427 : i32 to index
        %swap3A_429 = arith.index_cast %scan3A_410 : i32 to index
        %swap3A_430 = arith.constant 0 : index
        %swap3A_431 = tpu.vector_load %arg10[%swap3A_428, %swap3A_429, %swap3A_430] {strides = array<i32>} : memref<4x200x64xf32, #tpu.memory_space<vmem>>, vector<1x1x16xf32>,
        %swap3A_432 = vector.shape_cast %swap3A_431 : vector<1x1x16xf32> to vector<16xf32>
        %swap3A_433 = vector.shape_cast %get3A_413 : vector<16xf32> to vector<1x1x16xf32>
        tpu.vector_store %arg10[%swap3A_428, %swap3A_429, %swap3A_430], %swap3A_433 {add = true, strides = array<i32>} : memref<4x200x64xf32, #tpu.memory_space<vmem>>, vector<1x1x16xf32>,
        %swap3A_434 = arith.constant 3 : i32
        %swap3A_435 = arith.index_cast %swap3A_434 : i32 to index
        %swap3A_436 = arith.index_cast %scan3A_410 : i32 to index
        %swap3A_437 = arith.constant 0 : index
        %swap3A_438 = tpu.vector_load %arg10[%swap3A_435, %swap3A_436, %swap3A_437] {strides = array<i32>} : memref<4x200x64xf32, #tpu.memory_space<vmem>>, vector<1x1x16xf32>,
        %swap3A_439 = vector.shape_cast %swap3A_438 : vector<1x1x16xf32> to vector<16xf32>
        %swap3A_440 = vector.shape_cast %get3A_413 : vector<16xf32> to vector<1x1x16xf32>
        tpu.vector_store %arg10[%swap3A_435, %swap3A_436, %swap3A_437], %swap3A_440 {add = true, strides = array<i32>} : memref<4x200x64xf32, #tpu.memory_space<vmem>>, vector<1x1x16xf32>,
        %get3A_441 = arith.index_cast %scan3A_410 : i32 to index
        %get3A_442 = arith.constant 16 : index
        %get3A_443 = tpu.vector_load %arg6[%get3A_441, %get3A_442] {strides = array<i32>} : memref<200x64xf32, #tpu.memory_space<vmem>>, vector<1x16xf32>,
        %get3A_444 = vector.shape_cast %get3A_443 : vector<1x16xf32> to vector<16xf32>
        %swap3A_445 = arith.constant 0 : i32
        %swap3A_446 = arith.index_cast %swap3A_445 : i32 to index
        %swap3A_447 = arith.index_cast %scan3A_410 : i32 to index
        %swap3A_448 = arith.constant 16 : index
        %swap3A_449 = tpu.vector_load %arg10[%swap3A_446, %swap3A_447, %swap3A_448] {strides = array<i32>} : memref<4x200x64xf32, #tpu.memory_space<vmem>>, vector<1x1x16xf32>,
        %swap3A_450 = vector.shape_cast %swap3A_449 : vector<1x1x16xf32> to vector<16xf32>
        %swap3A_451 = vector.shape_cast %get3A_444 : vector<16xf32> to vector<1x1x16xf32>
        tpu.vector_store %arg10[%swap3A_446, %swap3A_447, %swap3A_448], %swap3A_451 {add = true, strides = array<i32>} : memref<4x200x64xf32, #tpu.memory_space<vmem>>, vector<1x1x16xf32>,
        %swap3A_452 = arith.constant 1 : i32
        %swap3A_453 = arith.index_cast %swap3A_452 : i32 to index
        %swap3A_454 = arith.index_cast %scan3A_410 : i32 to index
        %swap3A_455 = arith.constant 16 : index
        %swap3A_456 = tpu.vector_load %arg10[%swap3A_453, %swap3A_454, %swap3A_455] {strides = array<i32>} : memref<4x200x64xf32, #tpu.memory_space<vmem>>, vector<1x1x16xf32>,
        %swap3A_457 = vector.shape_cast %swap3A_456 : vector<1x1x16xf32> to vector<16xf32>
        %swap3A_458 = vector.shape_cast %get3A_444 : vector<16xf32> to vector<1x1x16xf32>
        tpu.vector_store %arg10[%swap3A_453, %swap3A_454, %swap3A_455], %swap3A_458 {add = true, strides = array<i32>} : memref<4x200x64xf32, #tpu.memory_space<vmem>>, vector<1x1x16xf32>,
        %swap3A_459 = arith.constant 2 : i32
        %swap3A_460 = arith.index_cast %swap3A_459 : i32 to index
        %swap3A_461 = arith.index_cast %scan3A_410 : i32 to index
        %swap3A_462 = arith.constant 16 : index
        %swap3A_463 = tpu.vector_load %arg10[%swap3A_460, %swap3A_461, %swap3A_462] {strides = array<i32>} : memref<4x200x64xf32, #tpu.memory_space<vmem>>, vector<1x1x16xf32>,
        %swap3A_464 = vector.shape_cast %swap3A_463 : vector<1x1x16xf32> to vector<16xf32>
        %swap3A_465 = vector.shape_cast %get3A_444 : vector<16xf32> to vector<1x1x16xf32>
        tpu.vector_store %arg10[%swap3A_460, %swap3A_461, %swap3A_462], %swap3A_465 {add = true, strides = array<i32>} : memref<4x200x64xf32, #tpu.memory_space<vmem>>, vector<1x1x16xf32>,
        %swap3A_466 = arith.constant 3 : i32
        %swap3A_467 = arith.index_cast %swap3A_466 : i32 to index
        %swap3A_468 = arith.index_cast %scan3A_410 : i32 to index
        %swap3A_469 = arith.constant 16 : index
        %swap3A_470 = tpu.vector_load %arg10[%swap3A_467, %swap3A_468, %swap3A_469] {strides = array<i32>} : memref<4x200x64xf32, #tpu.memory_space<vmem>>, vector<1x1x16xf32>,
        %swap3A_471 = vector.shape_cast %swap3A_470 : vector<1x1x16xf32> to vector<16xf32>
        %swap3A_472 = vector.shape_cast %get3A_444 : vector<16xf32> to vector<1x1x16xf32>
        tpu.vector_store %arg10[%swap3A_467, %swap3A_468, %swap3A_469], %swap3A_472 {add = true, strides = array<i32>} : memref<4x200x64xf32, #tpu.memory_space<vmem>>, vector<1x1x16xf32>,
        %get3A_473 = arith.index_cast %scan3A_410 : i32 to index
        %get3A_474 = arith.constant 32 : index
        %get3A_475 = tpu.vector_load %arg6[%get3A_473, %get3A_474] {strides = array<i32>} : memref<200x64xf32, #tpu.memory_space<vmem>>, vector<1x16xf32>,
        %get3A_476 = vector.shape_cast %get3A_475 : vector<1x16xf32> to vector<16xf32>
        %swap3A_477 = arith.constant 0 : i32
        %swap3A_478 = arith.index_cast %swap3A_477 : i32 to index
        %swap3A_479 = arith.index_cast %scan3A_410 : i32 to index
        %swap3A_480 = arith.constant 32 : index
        %swap3A_481 = tpu.vector_load %arg10[%swap3A_478, %swap3A_479, %swap3A_480] {strides = array<i32>} : memref<4x200x64xf32, #tpu.memory_space<vmem>>, vector<1x1x16xf32>,
        %swap3A_482 = vector.shape_cast %swap3A_481 : vector<1x1x16xf32> to vector<16xf32>
        %swap3A_483 = vector.shape_cast %get3A_476 : vector<16xf32> to vector<1x1x16xf32>
        tpu.vector_store %arg10[%swap3A_478, %swap3A_479, %swap3A_480], %swap3A_483 {add = true, strides = array<i32>} : memref<4x200x64xf32, #tpu.memory_space<vmem>>, vector<1x1x16xf32>,
        %swap3A_484 = arith.constant 1 : i32
        %swap3A_485 = arith.index_cast %swap3A_484 : i32 to index
        %swap3A_486 = arith.index_cast %scan3A_410 : i32 to index
        %swap3A_487 = arith.constant 32 : index
        %swap3A_488 = tpu.vector_load %arg10[%swap3A_485, %swap3A_486, %swap3A_487] {strides = array<i32>} : memref<4x200x64xf32, #tpu.memory_space<vmem>>, vector<1x1x16xf32>,
        %swap3A_489 = vector.shape_cast %swap3A_488 : vector<1x1x16xf32> to vector<16xf32>
        %swap3A_490 = vector.shape_cast %get3A_476 : vector<16xf32> to vector<1x1x16xf32>
        tpu.vector_store %arg10[%swap3A_485, %swap3A_486, %swap3A_487], %swap3A_490 {add = true, strides = array<i32>} : memref<4x200x64xf32, #tpu.memory_space<vmem>>, vector<1x1x16xf32>,
        %swap3A_491 = arith.constant 2 : i32
        %swap3A_492 = arith.index_cast %swap3A_491 : i32 to index
        %swap3A_493 = arith.index_cast %scan3A_410 : i32 to index
        %swap3A_494 = arith.constant 32 : index
        %swap3A_495 = tpu.vector_load %arg10[%swap3A_492, %swap3A_493, %swap3A_494] {strides = array<i32>} : memref<4x200x64xf32, #tpu.memory_space<vmem>>, vector<1x1x16xf32>,
        %swap3A_496 = vector.shape_cast %swap3A_495 : vector<1x1x16xf32> to vector<16xf32>
        %swap3A_497 = vector.shape_cast %get3A_476 : vector<16xf32> to vector<1x1x16xf32>
        tpu.vector_store %arg10[%swap3A_492, %swap3A_493, %swap3A_494], %swap3A_497 {add = true, strides = array<i32>} : memref<4x200x64xf32, #tpu.memory_space<vmem>>, vector<1x1x16xf32>,
        %swap3A_498 = arith.constant 3 : i32
        %swap3A_499 = arith.index_cast %swap3A_498 : i32 to index
        %swap3A_500 = arith.index_cast %scan3A_410 : i32 to index
        %swap3A_501 = arith.constant 32 : index
        %swap3A_502 = tpu.vector_load %arg10[%swap3A_499, %swap3A_500, %swap3A_501] {strides = array<i32>} : memref<4x200x64xf32, #tpu.memory_space<vmem>>, vector<1x1x16xf32>,
        %swap3A_503 = vector.shape_cast %swap3A_502 : vector<1x1x16xf32> to vector<16xf32>
        %swap3A_504 = vector.shape_cast %get3A_476 : vector<16xf32> to vector<1x1x16xf32>
        tpu.vector_store %arg10[%swap3A_499, %swap3A_500, %swap3A_501], %swap3A_504 {add = true, strides = array<i32>} : memref<4x200x64xf32, #tpu.memory_space<vmem>>, vector<1x1x16xf32>,
        %get3A_505 = arith.index_cast %scan3A_410 : i32 to index
        %get3A_506 = arith.constant 48 : index
        %get3A_507 = tpu.vector_load %arg6[%get3A_505, %get3A_506] {strides = array<i32>} : memref<200x64xf32, #tpu.memory_space<vmem>>, vector<1x16xf32>,
        %get3A_508 = vector.shape_cast %get3A_507 : vector<1x16xf32> to vector<16xf32>
        %swap3A_509 = arith.constant 0 : i32
        %swap3A_510 = arith.index_cast %swap3A_509 : i32 to index
        %swap3A_511 = arith.index_cast %scan3A_410 : i32 to index
        %swap3A_512 = arith.constant 48 : index
        %swap3A_513 = tpu.vector_load %arg10[%swap3A_510, %swap3A_511, %swap3A_512] {strides = array<i32>} : memref<4x200x64xf32, #tpu.memory_space<vmem>>, vector<1x1x16xf32>,
        %swap3A_514 = vector.shape_cast %swap3A_513 : vector<1x1x16xf32> to vector<16xf32>
        %swap3A_515 = vector.shape_cast %get3A_508 : vector<16xf32> to vector<1x1x16xf32>
        tpu.vector_store %arg10[%swap3A_510, %swap3A_511, %swap3A_512], %swap3A_515 {add = true, strides = array<i32>} : memref<4x200x64xf32, #tpu.memory_space<vmem>>, vector<1x1x16xf32>,
        %swap3A_516 = arith.constant 1 : i32
        %swap3A_517 = arith.index_cast %swap3A_516 : i32 to index
        %swap3A_518 = arith.index_cast %scan3A_410 : i32 to index
        %swap3A_519 = arith.constant 48 : index
        %swap3A_520 = tpu.vector_load %arg10[%swap3A_517, %swap3A_518, %swap3A_519] {strides = array<i32>} : memref<4x200x64xf32, #tpu.memory_space<vmem>>, vector<1x1x16xf32>,
        %swap3A_521 = vector.shape_cast %swap3A_520 : vector<1x1x16xf32> to vector<16xf32>
        %swap3A_522 = vector.shape_cast %get3A_508 : vector<16xf32> to vector<1x1x16xf32>
        tpu.vector_store %arg10[%swap3A_517, %swap3A_518, %swap3A_519], %swap3A_522 {add = true, strides = array<i32>} : memref<4x200x64xf32, #tpu.memory_space<vmem>>, vector<1x1x16xf32>,
        %swap3A_523 = arith.constant 2 : i32
        %swap3A_524 = arith.index_cast %swap3A_523 : i32 to index
        %swap3A_525 = arith.index_cast %scan3A_410 : i32 to index
        %swap3A_526 = arith.constant 48 : index
        %swap3A_527 = tpu.vector_load %arg10[%swap3A_524, %swap3A_525, %swap3A_526] {strides = array<i32>} : memref<4x200x64xf32, #tpu.memory_space<vmem>>, vector<1x1x16xf32>,
        %swap3A_528 = vector.shape_cast %swap3A_527 : vector<1x1x16xf32> to vector<16xf32>
        %swap3A_529 = vector.shape_cast %get3A_508 : vector<16xf32> to vector<1x1x16xf32>
        tpu.vector_store %arg10[%swap3A_524, %swap3A_525, %swap3A_526], %swap3A_529 {add = true, strides = array<i32>} : memref<4x200x64xf32, #tpu.memory_space<vmem>>, vector<1x1x16xf32>,
        %swap3A_530 = arith.constant 3 : i32
        %swap3A_531 = arith.index_cast %swap3A_530 : i32 to index
        %swap3A_532 = arith.index_cast %scan3A_410 : i32 to index
        %swap3A_533 = arith.constant 48 : index
        %swap3A_534 = tpu.vector_load %arg10[%swap3A_531, %swap3A_532, %swap3A_533] {strides = array<i32>} : memref<4x200x64xf32, #tpu.memory_space<vmem>>, vector<1x1x16xf32>,
        %swap3A_535 = vector.shape_cast %swap3A_534 : vector<1x1x16xf32> to vector<16xf32>
        %swap3A_536 = vector.shape_cast %get3A_508 : vector<16xf32> to vector<1x1x16xf32>
        tpu.vector_store %arg10[%swap3A_531, %swap3A_532, %swap3A_533], %swap3A_536 {add = true, strides = array<i32>} : memref<4x200x64xf32, #tpu.memory_space<vmem>>, vector<1x1x16xf32>,
      }
      %scan3A_400 = arith.constant 200 : i32
      %mul3A_401 = arith.constant 4 : i32
      %mul3A_402 = arith.muli %add3A_267, %mul3A_401 : i32
      %add3A_403 = arith.addi %mul3A_2, %mul3A_402 : i32
      %dma_start3A_404 = arith.constant 0 : i32
      %dma_start3A_405 = arith.constant 0 : i32
      %dma_start3A_406 = tpu.memref_slice %arg5[%add3A_403, %dma_start3A_404, %dma_start3A_405] : memref<4096x200x64xf32, #tpu.memory_space<hbm>> -> memref<4x200x64xf32, #tpu.memory_space<hbm>>
      %dma_start3A_407 = arith.constant 0 : i32
      %dma_start3A_408 = arith.constant 0 : i32
      %dma_start3A_409 = tpu.memref_slice %arg5[%add3A_403, %dma_start3A_407, %dma_start3A_408] : memref<4096x200x64xf32, #tpu.memory_space<hbm>> -> memref<4x200x64xf32, #tpu.memory_space<hbm>>
      tpu.enqueue_dma source(%arg10 : memref<4x200x64xf32, #tpu.memory_space<vmem>>) target(%dma_start3A_409 : memref<4x200x64xf32, #tpu.memory_space<hbm>>) target_semaphore(%arg12 : memref<!tpu.dma_semaphore, #tpu.memory_space<semaphore_mem>>)
    }
    %scan3A_104 = arith.constant 16 : i32
    %add3A_105 = arith.constant 120 : i32
    %add3A_106 = arith.addi %mul3A_2, %add3A_105 : i32
    %dma_wait3A = arith.constant 0 : i32
    %dma_wait3A_107 = arith.constant 0 : i32
    %dma_wait3A_108 = tpu.memref_slice %arg5[%add3A_106, %dma_wait3A, %dma_wait3A_107] : memref<4096x200x64xf32, #tpu.memory_space<hbm>> -> memref<4x200x64xf32, #tpu.memory_space<hbm>>
    %dma_wait3A_109 = arith.constant 0 : i32
    %dma_wait3A_110 = arith.constant 0 : i32
    %dma_wait3A_111 = tpu.memref_slice %arg5[%add3A_106, %dma_wait3A_109, %dma_wait3A_110] : memref<4096x200x64xf32, #tpu.memory_space<hbm>> -> memref<4x200x64xf32, #tpu.memory_space<hbm>>
    tpu.wait_dma2 semaphore(%arg12 : memref<!tpu.dma_semaphore, #tpu.memory_space<semaphore_mem>>) src(%arg9 : memref<4x200x64xf32, #tpu.memory_space<vmem>>) dst(%dma_wait3A_111 : memref<4x200x64xf32, #tpu.memory_space<hbm>>)
    %add3A_112 = arith.constant 124 : i32
    %add3A_113 = arith.addi %mul3A_2, %add3A_112 : i32
    %dma_wait3A_114 = arith.constant 0 : i32
    %dma_wait3A_115 = arith.constant 0 : i32
    %dma_wait3A_116 = tpu.memref_slice %arg5[%add3A_113, %dma_wait3A_114, %dma_wait3A_115] : memref<4096x200x64xf32, #tpu.memory_space<hbm>> -> memref<4x200x64xf32, #tpu.memory_space<hbm>>
    %dma_wait3A_117 = arith.constant 0 : i32
    %dma_wait3A_118 = arith.constant 0 : i32
    %dma_wait3A_119 = tpu.memref_slice %arg5[%add3A_113, %dma_wait3A_117, %dma_wait3A_118] : memref<4096x200x64xf32, #tpu.memory_space<hbm>> -> memref<4x200x64xf32, #tpu.memory_space<hbm>>
    tpu.wait_dma2 semaphore(%arg12 : memref<!tpu.dma_semaphore, #tpu.memory_space<semaphore_mem>>) src(%arg10 : memref<4x200x64xf32, #tpu.memory_space<vmem>>) dst(%dma_wait3A_119 : memref<4x200x64xf32, #tpu.memory_space<hbm>>)
    return
  }
}

</mosaic_0001>

<sc_bundles>
// kernel: kernel.3.cloned.1.call-start
scs
__scs_entry_jumppad:
0x0: {  	(pc) =	sbr.rel $0x88, $3  }
0x1: {  	(tag) =	ssettag $0x0;
	lr =	simm.s32 $0x1  }
0x2: {  	[smem:$0x3F9E] =	sst lr;
	_ =	strace $0xD0000000  }
0x3: {  	_ = 	snop  }
0x4: {  	_ = 	snop  }
0x5: {  	_ = 	snop  }
0x6: {  	_ = 	snop  }
0x7: {  	_ = 	snop  }
__scs_overlays_trampoline_lowered:
0x8: {  	[smem:$0x3FAD] =	sst s0  }
0x9: {  	[smem:$0x3FAE] =	sst s1  }
0xa: {  	[smem:$0x3FAF] =	sst s2  }
0xb: {  	[smem:$0x3FB0] =	sst s3  }
0xc: {  	[smem:$0x3FB1] =	sst s4  }
0xd: {  	[smem:$0x3FB2] =	sst s5  }
0xe: {  	[smem:$0x3FB3] =	sst s6  }
0xf: {  	[smem:$0x3FB4] =	sst s7  }
0x10: {  	[smem:$0x3FB5] =	sst s8  }
0x11: {  	[smem:$0x3FB6] =	sst s9;
	s0 =	simm.s32 @!p0 $0x0  }
0x12: {  	s1 =	sld [smem:$0x3F9C];
	s0 =	simm.s32 @p0 $0x1  }
0x13: {  	[smem:$0x3FB7] =	sst s0;
	s0 =	simm.s32 @!p1 $0x0  }
0x14: {  	s2 =	sld [smem:$0x3F9B];
	s0 =	simm.s32 @p1 $0x1  }
0x15: {  	[smem:$0x3FB8] =	sst s0;
	s0 =	simm.s32 @!p2 $0x0  }
0x16: {  	s3 =	sld [smem:$0x3FDB];
	s0 =	simm.s32 @p2 $0x1  }
0x17: {  	s4 =	simm.s32 $0x1BF5;
	[smem:$0x3FBA] =	sst s0  }
0x18: {  	s0 =	sld [smem:$0x3F9D];
	_ =	swait.ge [sflag:s4], $0x0  }
0x19: {  	s7 =	sld [smem:$0x3F9E]  }
0x1a: {  	s8 =	sadd.s32 $0xFFFFE003, lr  }
0x1b: {  	s9 =	sadd.s32 $0xFFFFFEF7, lr;
	s5 =	simm.s32 $0xFFFFFFFF;
	p2 =	slt.u32 s8, $0xFFFFF086  }
0x1c: {  	p1 =	slt.u32 s9, $0xF7A;
	s5 =	simm.s32 @!p2 $0x0  }
0x1d: {  	s5 =	simm.s32 @p1 $0x1;
	p0 =	seq.s32 s7, s2  }
0x1e: {  	s7 =	smul.u32 @!p0 $0xF7A, s2;
	p2 =	seq.s32 @!p0 s5, $0x0  }
0x1f: {  	s9 =	smul.u32 $0xF7A, s1;
	s8 =	simm.s32 @!p0 $0x1BF5;
	p2 =	por !p2, p0  }
0x20: {  	[sflag:s8] =	ssyncset.s32 @!p0 $0xFFFFF086;
	s6 =	sadd.s32 @!p0 s3, s7;
	s7 =	simm.s32 @!p0 $0x108  }
0x21: {  	s3 =	sadd.s32 s3, s9;
	s6 =	sadd.s32 @!p0 $0x88, s6;
	s7 =	simm.s32 @p2 $0x1082  }
0x22: {  	[simem:s7], [sflag:s8] =	dma.local @!p0 [hbm:s6], $0xF7A  }
0x23: {  	s9 =	sor.u32 $0xD0000000, s2;
	s6 =	simm.s32 $0x108;
	_ =	swait.ge @!p0 [sflag:s8], $0x0  }
0x24: {  	s3 =	sadd.s32 $0x88, s3;
	s6 =	simm.s32 @!p1 $0x1082;
	[sflag:s4] =	ssyncset.s32 $0xFFFFF086  }
0x25: {  	[simem:s6], [sflag:s4] =	dma.local [hbm:s3], $0xF7A  }
0x26: {  	[smem:$0x3F9E] =	sst s1;
	(tag) =	ssettag s2;
	_ =	strace s9  }
0x27: {  	s1 =	sld [smem:$0x3FAE]  }
0x28: {  	s2 =	sld [smem:$0x3FAF]  }
0x29: {  	s4 =	sld [smem:$0x3FB1]  }
0x2a: {  	p0 =	seq.s32 s5, $0x0;
	s5 =	sld [smem:$0x3FB2]  }
0x2b: {  	s6 =	sld [smem:$0x3FB3]  }
0x2c: {  	s7 =	sld [smem:$0x3FB4]  }
0x2d: {  	s3 =	simm.s32 $0x108;
	s8 =	sld [smem:$0x3FB5]  }
0x2e: {  	s3 =	simm.s32 @!p0 $0x1082;
	s9 =	sld [smem:$0x3FB6]  }
0x2f: {  	lr =	sadd.s32 s0, s3;
	s0 =	sld [smem:$0x3FAD]  }
0x30: {  	s3 =	sld [smem:$0x3FB0]  }
0x31: {  	[smem:$0x3FB9] =	sst s10  }
0x32: {  	s10 =	sld [smem:$0x3FB7];
	_ =	sdelay $0x3  }
0x33: {  	p0 =	seq.s32 s10, $0x1;
	s10 =	sld [smem:$0x3FB9];
	_ =	sdelay $0x3  }
0x34: {  	[smem:$0x3FB9] =	sst s10  }
0x35: {  	s10 =	sld [smem:$0x3FB8];
	_ =	sdelay $0x3  }
0x36: {  	p1 =	seq.s32 s10, $0x1;
	s10 =	sld [smem:$0x3FB9];
	_ =	sdelay $0x3  }
0x37: {  	[smem:$0x3FB9] =	sst s10  }
0x38: {  	s10 =	sld [smem:$0x3FBA]  }
0x39: {  	_ = 	snop;
	(pc) =	sbr.ind lr, $3  }
0x3a: {  	_ = 	snop  }
0x3b: {  	_ = 	snop  }
0x3c: {  	p2 =	seq.s32 s10, $0x1;
	s10 =	sld [smem:$0x3FB9]  }
0x3d: {  	_ =	shalt  }
0x3e: {  	_ =	shalt  }
0x3f: {  	_ =	shalt  }
0x40: {  	_ =	shalt  }
0x41: {  	_ =	shalt  }
0x42: {  	_ =	shalt  }
0x43: {  	_ =	shalt  }
0x44: {  	_ =	shalt  }
0x45: {  	_ =	shalt  }
0x46: {  	_ =	shalt  }
0x47: {  	_ =	shalt  }
0x48: {  	_ =	shalt  }
0x49: {  	_ =	shalt  }
0x4a: {  	_ =	shalt  }
0x4b: {  	_ =	shalt  }
0x4c: {  	_ =	shalt  }
0x4d: {  	_ =	shalt  }
0x4e: {  	_ =	shalt  }
0x4f: {  	_ =	shalt  }
0x50: {  	_ =	shalt  }
0x51: {  	_ =	shalt  }
0x52: {  	_ =	shalt  }
0x53: {  	_ =	shalt  }
0x54: {  	_ =	shalt  }
0x55: {  	_ =	shalt  }
0x56: {  	_ =	shalt  }
0x57: {  	_ =	shalt  }
0x58: {  	_ =	shalt  }
0x59: {  	_ =	shalt  }
0x5a: {  	_ =	shalt  }
0x5b: {  	_ =	shalt  }
0x5c: {  	_ =	shalt  }
0x5d: {  	_ =	shalt  }
0x5e: {  	_ =	shalt  }
0x5f: {  	_ =	shalt  }
0x60: {  	_ =	shalt  }
0x61: {  	_ =	shalt  }
0x62: {  	_ =	shalt  }
0x63: {  	_ =	shalt  }
0x64: {  	_ =	shalt  }
0x65: {  	_ =	shalt  }
0x66: {  	_ =	shalt  }
0x67: {  	_ =	shalt  }
0x68: {  	_ =	shalt  }
0x69: {  	_ =	shalt  }
0x6a: {  	_ =	shalt  }
0x6b: {  	_ =	shalt  }
0x6c: {  	_ =	shalt  }
0x6d: {  	_ =	shalt  }
0x6e: {  	_ =	shalt  }
0x6f: {  	_ =	shalt  }
0x70: {  	_ =	shalt  }
0x71: {  	_ =	shalt  }
0x72: {  	_ =	shalt  }
0x73: {  	_ =	shalt  }
0x74: {  	_ =	shalt  }
0x75: {  	_ =	shalt  }
0x76: {  	_ =	shalt  }
0x77: {  	_ =	shalt  }
0x78: {  	_ =	shalt  }
0x79: {  	_ =	shalt  }
0x7a: {  	_ =	shalt  }
0x7b: {  	_ =	shalt  }
0x7c: {  	_ =	shalt  }
0x7d: {  	_ =	shalt  }
0x7e: {  	_ =	shalt  }
0x7f: {  	_ =	shalt  }
0x80: {  	_ =	shalt  }
0x81: {  	_ =	shalt  }
0x82: {  	_ =	shalt  }
0x83: {  	_ =	shalt  }
0x84: {  	_ =	shalt  }
0x85: {  	_ =	shalt  }
0x86: {  	_ =	shalt  }
0x87: {  	_ =	shalt  }
.Lfunc_end0:
.L_simem_size_0:
called_computation.1_lowered:
.L_overlay_start_0:
0x88: {  	s2 =	sld [smem:$0x3FD9]  }
0x89: {  	s3 =	sld [smem:$0x3FFE];
	_ =	sdelay $0x1  }
0x8a: {  	s1 =	srdreg.scid  }
0x8b: {  	s0 =	sand.u32 $0x1, s1  }
0x8c: {  	s17 =	sshll.u32 s0, $0xA;
	s2 =	sadd.s32 s3, s2  }
0x8d: {  	s2 =	sadd.s32 s2, s17  }
0x8e: {  	[smem:$0x3FC5] =	sst s2  }
0x8f: {  	_ = 	snop  }
0x90: {  	s2 =	sld [smem:$0x3FD0];
	(tm) =	ssettm $0x1  }
0x91: {  	s18 =	sld [smem:$0x3FFB];
	_ =	sdelay $0x3  }
0x92: {  	_ =	strace s18  }
0x93: {  	s3 =	sld [smem:$0x3FFC];
	_ =	sdelay $0x3  }
0x94: {  	_ =	strace s3  }
0x95: {  	s3 =	sld [smem:$0x3FFD];
	_ =	sdelay $0x3  }
0x96: {  	_ =	strace s3  }
0x97: {  	_ =	strace $0x8FFFFFFF  }
0x98: {  	s19 =	sld [smem:$0x3FDB];
	_ =	sdelay $0x1  }
0x99: {  	s4 =	simm.s32 $_scs_section_size  }
0x9a: {  	s5 =	simm.s32 $_size__tile_overlayer_lowered;
	s6 =	simm.s32 $_tile_overlayer_lowered  }
0x9b: {  	s22 =	simm.s32 $0x1BFF;
	s21 =	sshll.u32 s6, $0x1;
	s3 =	sadd.s32 s4, s19  }
0x9c: {  	s7 =	simm.s32 $0x0;
	s20 =	sshll.u32 s5, $0x1;
	s5 =	sadd.s32 s21, s3  }
0x9d: {  	[timem:s7], [sflag:s22] =	dma.local [hbm:s5], s20  }
0x9e: {  	_ =	swait.ge [sflag:s22], s20  }
0x9f: {  	s4 =	ssub.s32 $0x0, s20;
	[sflag:s22] =	ssyncset.done $0x0  }
0xa0: {  	[sflag:s22] =	ssyncadd.s32 s4;
	_ =	sdelay $0x1  }
0xa1: {  	s23 =	simm.s32 $0x1B8B  }
0xa2: {  	_ =	swait.ge [sflag:s23], $0x1  }
0xa3: {  	[sflag:s23] =	ssyncset.done $0x0  }
0xa4: {  	s25 =	simm.s32 $0x1B8E;
	s24 =	sld [smem:$0x3FFE];
	[sflag:s23] =	ssyncadd.s32 $0xFFFFFFFF  }
0xa5: {  	s26 =	simm.s32 $execute0_lowered;
	[smem:$0x3FD2] =	sst s25  }
0xa6: {  	s5 =	sshll.u32 s26, $0x1;
	_ =	strace $0x80000046;
	[dreg:$0x1] =	wrdreg $0xFFFFFFFF  }
0xa7: {  	s28 =	simm.s32 $_size_execute0_lowered;
	s3 =	sadd.s32 s3, s5;
	[dreg:$0x0] =	wrdreg $0x0  }
0xa8: {  	s5 =	sshll.u32 s28, $0x1;
	[dreg:$0x2] =	wrdreg s3  }
0xa9: {  	[dreg:$0x3] =	wrdreg s5  }
0xaa: {  	[dreg:$0x4] =	wrdreg $0xC0  }
0xab: {  	_ =	task [dreg:s7], $0x5FFFF  }
0xac: {  	[dreg:$0x1] =	wrdreg $0xFFFFFFFF  }
0xad: {  	[dreg:$0x0] =	wrdreg $0x60  }
0xae: {  	[dreg:$0x2] =	wrdreg s24  }
0xaf: {  	[dreg:$0x3] =	wrdreg s2  }
0xb0: {  	[dreg:$0x4] =	wrdreg $0x9  }
0xb1: {  	_ =	task.clear_ibuf [dreg:s7], $0x5FFFF;
	_ =	strace $0x90000046  }
0xb2: {  	s29 =	simm.s32 $0x9;
	_ =	strace $0x80000048  }
0xb3: {  	_ =	swait.ge [sflag:s29], $0x1  }
0xb4: {  	[sflag:s29] =	ssyncadd.s32 $0xFFFFFFFF  }
0xb5: {  	_ =	strace $0x90000048  }
0xb6: {  	_ =	sfence  }
0xb7: {  	s30 =	sld [smem:$0x0];
	_ =	sdelay $0x2  }
0xb8: {  	s31 =	sshll.u32 s1, $0xD;
	s1 =	sshrl.u32 s1, $0x2  }
0xb9: {  	s3 =	sand.u32 $0x4000, s31;
	s1 =	sadd.s32 s1, s30  }
0xba: {  	s0 =	sor.u32 s3, s0;
	s1 =	sshll.u32 s1, $0x11  }
0xbb: {  	s0 =	sor.u32 s1, s0  }
0xbc: {  	s0 =	sadd.s32 $0x8F2B, s0  }
0xbd: {  	[sflag:s0] =	ssyncadd.remote.s32 $0x1  }
0xbe: {  	_ =	sfence.sel $0xFFFF  }
0xbf: {  	[dreg:$0x0] =	wrdreg $0xFFFFFFFF;
	(pc) =	sbr.abs _section_cstart, $3  }
0xc0: {  	[dreg:$0x1] =	wrdreg $0xFFFFFFFF  }
0xc1: {  	_ =	task.clear_ibuf [dreg:s7], $0x2FFFF;
	_ =	strace $0x9FFFFFFF  }
0xc2: {  	(tm) =	ssettm $0x7FFFFFFF  }
0xc3: {  	_ =	shalt  }
tec
execute0_lowered:
.L_overlay_start_1:
0x0: {  	(tag) =	ssettag $0x1  }
0x1: {  	s0 =	rddreg [dreg:$0x0]  }
0x2: {  	s2 =	rddreg [dreg:$0x1]  }
0x3: {  	s1 =	srdreg.scid;
	s3 =	simm.s32 $0x0;
	s4 =	stileid.u32  }
0x4: {  	s12 =	simm.s32 $0x3;
	s14 =	simm.s32 $0x80;
	s16 =	simm.s32 $0x48  }
0x5: {  	s17 =	simm.s32 $0x10040;
	s20 =	simm.s32 $0x35E8;
	s21 =	simm.s32 $0x13240  }
0x6: {  	s22 =	simm.s32 $0x3668;
	s23 =	simm.s32 $0x15240;
	s24 =	simm.s32 $0x36B0  }
0x7: {  	s28 =	simm.s32 $0x18440;
	s29 =	simm.s32 $0x3778;
	s30 =	simm.s32 $0x19640  }
0x8: {  	s31 =	simm.s32 $0x37F8;
	s13 =	simm.s32 $0x0;
	s1 =	sand.u32 $0x1, s1  }
0x9: {  	[smem:$0x7FF] =	sst s3;
	s4 =	sshll.u32 s4, $0x8;
	s6 =	sadd.s32 $0xF43000, s0  }
0xa: {  	s5 =	sshll.u32 s1, $0x7;
	_ =	strace $0x80000047;
	s1 =	ssub.s32 $0x2, s1  }
0xb: {  	s4 =	sor.u32 s5, s4;
	s5 =	sadd.s32 $0xC00, s0;
	s0 =	sadd.s32 $0x19C00, s0  }
0xc: {  	s7 =	sshrl.u32 s1, $0x1;
	s8 =	smul.u32 $0x19, s4;
	[dreg:$0x3] =	wrdreg s0  }
0xd: {  	s25 =	ssub.s32 s1, s7;
	s9 =	sor.u32 $0x4, s4;
	s10 =	sor.u32 $0x8, s4  }
0xe: {  	s1 =	simm.s32 $0x3520;
	s7 =	simm.s32 $0x1B640;
	s0 =	smax.u32 s25, $0x1  }
0xf: {  	s25 =	simm.s32 $0x16440;
	s26 =	sadd.s32 s5, s8;
	[dreg:$0x5] =	wrdreg s0  }
0x10: {  	s0 =	simm.s32 $0x1;
	[dreg:$0x4] =	wrdreg s26;
	s26 =	simm.s32 $0x3730  }
.LBB2_1:
0x11: {  	[dreg:$0x6] =	wrdreg s13  }
0x12: {  	s8 =	rddreg [dreg:$0x3]  }
0x13: {  	[tilespmem:s3], [sflag:$0x3] =	stream.linear.gather [hbm4b:s8+s3], $0x3200, $0x38;
	[tilespmem:$0x1C840] =	vst v63  }
0x14: {  	_ =	swait.ge [sflag:s12], $0x3200  }
0x15: {  	[sflag:s12] =	ssyncset.done $0x0  }
0x16: {  	s11 =	simm.s32 $0x3200;
	s13 =	rddreg [dreg:$0x4];
	[sflag:s12] =	ssyncadd.s32 $0xFFFFCE00  }
0x17: {  	[tilespmem:s11], [sflag:$0x3] =	stream.linear.gather [hbm4b:s13+s3], $0x320, $0x38;
	[tilespmem:$0x1C840] =	vst v63  }
0x18: {  	_ =	swait.ge [sflag:s12], $0x320  }
0x19: {  	[sflag:s12] =	ssyncset.done $0x0  }
0x1a: {  	s15 =	simm.s32 $0x3840;
	[sflag:s12] =	ssyncadd.s32 $0xFFFFFCE0  }
0x1b: {  	[tilespmem:s15], [sflag:$0x1] =	stream.indirect.gather [hbm4b:s6+s14], $0x40, s11, s14, $0xb8;
	[tilespmem:$0x1C840] =	vst v63  }
0x1c: {  	s18 =	simm.s32 $0x3280;
	s19 =	simm.s32 $0x5840  }
0x1d: {  	[tilespmem:s19], [sflag:$0x1] =	stream.indirect.gather [hbm4b:s6+s16], $0x40, s18, s16, $0xb8;
	[tilespmem:$0x1C840] =	vst v63  }
0x1e: {  	s13 =	simm.s32 $0x32C8;
	s15 =	simm.s32 $0x6A40  }
0x1f: {  	[tilespmem:s15], [sflag:$0x1] =	stream.indirect.gather [hbm4b:s6+s14], $0x40, s13, s14, $0xb8;
	[tilespmem:$0x1C840] =	vst v63  }
0x20: {  	s18 =	simm.s32 $0x3348;
	s19 =	simm.s32 $0x8A40  }
0x21: {  	[tilespmem:s19], [sflag:$0x1] =	stream.indirect.gather [hbm4b:s6+s16], $0x40, s18, s16, $0xb8;
	[tilespmem:$0x1C840] =	vst v63  }
0x22: {  	s13 =	simm.s32 $0x3390;
	s15 =	simm.s32 $0x9C40  }
0x23: {  	[tilespmem:s15], [sflag:$0x1] =	stream.indirect.gather [hbm4b:s6+s14], $0x40, s13, s14, $0xb8;
	[tilespmem:$0x1C840] =	vst v63  }
0x24: {  	s18 =	simm.s32 $0x3410;
	s19 =	simm.s32 $0xBC40  }
0x25: {  	[tilespmem:s19], [sflag:$0x1] =	stream.indirect.gather [hbm4b:s6+s16], $0x40, s18, s16, $0xb8;
	[tilespmem:$0x1C840] =	vst v63  }
0x26: {  	s13 =	simm.s32 $0x3458;
	s15 =	simm.s32 $0xCE40  }
0x27: {  	[tilespmem:s15], [sflag:$0x1] =	stream.indirect.gather [hbm4b:s6+s14], $0x40, s13, s14, $0xb8;
	[tilespmem:$0x1C840] =	vst v63  }
0x28: {  	s11 =	simm.s32 $0x0;
	s18 =	simm.s32 $0x34D8;
	s19 =	simm.s32 $0xEE40  }
0x29: {  	[tilespmem:s19], [sflag:$0x1] =	stream.indirect.gather [hbm4b:s6+s16], $0x40, s18, s16, $0xb8;
	[tilespmem:$0x1C840] =	vst v63  }
.LBB2_2:
0x2a: {  	_ =	swait.ge [sflag:s0], $0x2000  }
0x2b: {  	[sflag:s0] =	ssyncset.done $0x0  }
0x2c: {  	[sflag:s0] =	ssyncadd.s32 $0xFFFFE000  }
0x2d: {  	_ =	swait.ge [sflag:s0], $0x1200  }
0x2e: {  	[sflag:s0] =	ssyncset.done $0x0  }
0x2f: {  	[sflag:s0] =	ssyncadd.s32 $0xFFFFEE00  }
0x30: {  	_ =	swait.ge [sflag:s0], $0x2000  }
0x31: {  	[sflag:s0] =	ssyncset.done $0x0  }
0x32: {  	[sflag:s0] =	ssyncadd.s32 $0xFFFFE000  }
0x33: {  	_ =	swait.ge [sflag:s0], $0x1200  }
0x34: {  	[sflag:s0] =	ssyncset.done $0x0  }
0x35: {  	[sflag:s0] =	ssyncadd.s32 $0xFFFFEE00  }
0x36: {  	_ =	swait.ge [sflag:s0], $0x2000  }
0x37: {  	[sflag:s0] =	ssyncset.done $0x0  }
0x38: {  	[sflag:s0] =	ssyncadd.s32 $0xFFFFE000  }
0x39: {  	_ =	swait.ge [sflag:s0], $0x1200  }
0x3a: {  	[sflag:s0] =	ssyncset.done $0x0  }
0x3b: {  	[sflag:s0] =	ssyncadd.s32 $0xFFFFEE00  }
0x3c: {  	_ =	swait.ge [sflag:s0], $0x2000  }
0x3d: {  	[sflag:s0] =	ssyncset.done $0x0  }
0x3e: {  	[sflag:s0] =	ssyncadd.s32 $0xFFFFE000  }
0x3f: {  	_ =	swait.ge [sflag:s0], $0x1200  }
0x40: {  	s8 =	sshll.u32 s11, $0x3;
	p0 =	seq.s32 s11, $0x0;
	[sflag:s0] =	ssyncset.done $0x0  }
0x41: {  	s15 =	simm.s32 @!p0 $0x2;
	s13 =	sadd.s32 s9, s8;
	[sflag:s0] =	ssyncadd.s32 $0xFFFFEE00  }
0x42: {  	s18 =	smul.u32 $0x19, s13;
	_ =	swait.ge @!p0 [sflag:s15], $0xC800  }
0x43: {  	[sflag:s15] =	ssyncset.done @!p0 $0x0  }
0x44: {  	s19 =	simm.s32 $0x0;
	s18 =	sadd.s32 s5, s18;
	[sflag:s15] =	ssyncadd.s32 @!p0 $0xFFFF3800  }
0x45: {  	[tilespmem:s1], [sflag:$0x3] =	stream.linear.gather [hbm4b:s18+s19], $0x320, $0x38;
	[tilespmem:$0x1C840] =	vst v63  }
0x46: {  	_ =	swait.ge [sflag:s12], $0x320  }
0x47: {  	[sflag:s12] =	ssyncset.done $0x0  }
0x48: {  	[sflag:s12] =	ssyncadd.s32 $0xFFFFFCE0  }
0x49: {  	[tilespmem:s17], [sflag:$0x1] =	stream.indirect.gather [hbm4b:s6+s14], $0x40, s1, s14, $0xb8;
	[tilespmem:$0x1C840] =	vst v63  }
0x4a: {  	s18 =	simm.s32 $0x35A0;
	s19 =	simm.s32 $0x12040  }
0x4b: {  	[tilespmem:s19], [sflag:$0x1] =	stream.indirect.gather [hbm4b:s6+s16], $0x40, s18, s16, $0xb8;
	[tilespmem:$0x1C840] =	vst v63  }
0x4c: {  	_ = 	snop  }
0x4d: {  	[tilespmem:s21], [sflag:$0x1] =	stream.indirect.gather [hbm4b:s6+s14], $0x40, s20, s14, $0xb8;
	[tilespmem:$0x1C840] =	vst v63  }
0x4e: {  	_ = 	snop  }
0x4f: {  	[tilespmem:s23], [sflag:$0x1] =	stream.indirect.gather [hbm4b:s6+s16], $0x40, s22, s16, $0xb8;
	[tilespmem:$0x1C840] =	vst v63  }
0x50: {  	_ = 	snop  }
0x51: {  	[tilespmem:s25], [sflag:$0x1] =	stream.indirect.gather [hbm4b:s6+s14], $0x40, s24, s14, $0xb8;
	[tilespmem:$0x1C840] =	vst v63  }
0x52: {  	_ = 	snop  }
0x53: {  	[tilespmem:s28], [sflag:$0x1] =	stream.indirect.gather [hbm4b:s6+s16], $0x40, s26, s16, $0xb8;
	[tilespmem:$0x1C840] =	vst v63  }
0x54: {  	_ = 	snop  }
0x55: {  	[tilespmem:s30], [sflag:$0x1] =	stream.indirect.gather [hbm4b:s6+s14], $0x40, s29, s14, $0xb8;
	[tilespmem:$0x1C840] =	vst v63  }
0x56: {  	s15 =	simm.s32 $0x0  }
0x57: {  	[tilespmem:s7], [sflag:$0x1] =	stream.indirect.gather [hbm4b:s6+s16], $0x40, s31, s16, $0xb8;
	[tilespmem:$0x1C840] =	vst v63  }
0x58: {  	v0 =	vld [tilespmem:s15+$0x30]  }
0x59: {  	v1 =	vld [tilespmem:s15+$0x0];
	_ =	sdelay $0x1  }
0x5a: {  	v2 =	vld [tilespmem:s15+$0x10]  }
0x5b: {  	v3 =	vld [tilespmem:s15+$0x20]  }
0x5c: {  	[tilespmem:s15+$0xCE70] =	vst.add.f32.msk $0xffff, v0  }
0x5d: {  	[tilespmem:s15+$0x3840] =	vst.add.f32.msk $0xffff, v1  }
0x5e: {  	[tilespmem:s15+$0x6A40] =	vst.add.f32.msk $0xffff, v1  }
0x5f: {  	[tilespmem:s15+$0x9C40] =	vst.add.f32.msk $0xffff, v1  }
0x60: {  	[tilespmem:s15+$0xCE40] =	vst.add.f32.msk $0xffff, v1  }
0x61: {  	[tilespmem:s15+$0x3850] =	vst.add.f32.msk $0xffff, v2  }
0x62: {  	[tilespmem:s15+$0x6A50] =	vst.add.f32.msk $0xffff, v2  }
0x63: {  	[tilespmem:s15+$0x9C50] =	vst.add.f32.msk $0xffff, v2  }
0x64: {  	[tilespmem:s15+$0xCE50] =	vst.add.f32.msk $0xffff, v2  }
0x65: {  	[tilespmem:s15+$0x3860] =	vst.add.f32.msk $0xffff, v3  }
0x66: {  	[tilespmem:s15+$0x6A60] =	vst.add.f32.msk $0xffff, v3  }
0x67: {  	[tilespmem:s15+$0x9C60] =	vst.add.f32.msk $0xffff, v3  }
0x68: {  	[tilespmem:s15+$0xCE60] =	vst.add.f32.msk $0xffff, v3  }
0x69: {  	[tilespmem:s15+$0x3870] =	vst.add.f32.msk $0xffff, v0  }
0x6a: {  	s19 =	simm.s32 $0x40;
	s18 =	simm.s32 $0x200;
	[tilespmem:s15+$0x6A70] =	vst.add.f32.msk $0xffff, v0  }
.LBB2_3:
0x6b: {  	p0 =	sne.s32 s18, $0xC700;
	v1 =	vld [tilespmem:s19+$0x30]  }
0x6c: {  	v2 =	vld [tilespmem:s19+$0x0]  }
0x6d: {  	v3 =	vld [tilespmem:s19+$0x10]  }
0x6e: {  	v4 =	vld [tilespmem:s19+$0x20]  }
0x6f: {  	[tilespmem:s15+$0x9C70] =	vst.add.f32.msk $0xffff, v0;
	s15 =	smov.u32 s19  }
0x70: {  	[tilespmem:s15+$0xCE70] =	vst.add.f32.msk $0xffff, v1;
	v0 =	vmov v1  }
0x71: {  	[tilespmem:s15+$0x3840] =	vst.add.f32.msk $0xffff, v2  }
0x72: {  	[tilespmem:s15+$0x6A40] =	vst.add.f32.msk $0xffff, v2  }
0x73: {  	[tilespmem:s15+$0x9C40] =	vst.add.f32.msk $0xffff, v2  }
0x74: {  	[tilespmem:s15+$0xCE40] =	vst.add.f32.msk $0xffff, v2  }
0x75: {  	[tilespmem:s15+$0x3850] =	vst.add.f32.msk $0xffff, v3  }
0x76: {  	[tilespmem:s15+$0x6A50] =	vst.add.f32.msk $0xffff, v3  }
0x77: {  	[tilespmem:s15+$0x9C50] =	vst.add.f32.msk $0xffff, v3  }
0x78: {  	[tilespmem:s15+$0xCE50] =	vst.add.f32.msk $0xffff, v3  }
0x79: {  	[tilespmem:s15+$0x3860] =	vst.add.f32.msk $0xffff, v4  }
.Ltmp0:
0x7a: {  	[tilespmem:s15+$0x6A60] =	vst.add.f32.msk $0xffff, v4;
	(pc) =	sbr.rel @p0 .LBB2_3-.Ltmp0, $4  }
0x7b: {  	[tilespmem:s15+$0x9C60] =	vst.add.f32.msk $0xffff, v4  }
0x7c: {  	[tilespmem:s15+$0xCE60] =	vst.add.f32.msk $0xffff, v4  }
0x7d: {  	[tilespmem:s15+$0x3870] =	vst.add.f32.msk $0xffff, v0  }
0x7e: {  	s19 =	sshra.s32 s18, $0x2;
	s18 =	sadd.s32 $0x100, s18;
	[tilespmem:s15+$0x6A70] =	vst.add.f32.msk $0xffff, v0  }
0x7f: {  	v1 =	vld [tilespmem:s19+$0x30]  }
0x80: {  	v2 =	vld [tilespmem:s19+$0x0]  }
0x81: {  	v3 =	vld [tilespmem:s19+$0x10]  }
0x82: {  	v4 =	vld [tilespmem:s19+$0x20]  }
0x83: {  	[tilespmem:s15+$0x9C70] =	vst.add.f32.msk $0xffff, v0  }
0x84: {  	[tilespmem:s19+$0xCE70] =	vst.add.f32.msk $0xffff, v1  }
0x85: {  	[tilespmem:s19+$0x3840] =	vst.add.f32.msk $0xffff, v2  }
0x86: {  	[tilespmem:s19+$0x6A40] =	vst.add.f32.msk $0xffff, v2  }
0x87: {  	[tilespmem:s19+$0x9C40] =	vst.add.f32.msk $0xffff, v2  }
0x88: {  	[tilespmem:s19+$0xCE40] =	vst.add.f32.msk $0xffff, v2  }
0x89: {  	[tilespmem:s19+$0x3850] =	vst.add.f32.msk $0xffff, v3  }
0x8a: {  	[tilespmem:s19+$0x6A50] =	vst.add.f32.msk $0xffff, v3  }
0x8b: {  	[tilespmem:s19+$0x9C50] =	vst.add.f32.msk $0xffff, v3  }
0x8c: {  	[tilespmem:s19+$0xCE50] =	vst.add.f32.msk $0xffff, v3  }
0x8d: {  	[tilespmem:s19+$0x3860] =	vst.add.f32.msk $0xffff, v4  }
0x8e: {  	[tilespmem:s19+$0x6A60] =	vst.add.f32.msk $0xffff, v4  }
0x8f: {  	[tilespmem:s19+$0x9C60] =	vst.add.f32.msk $0xffff, v4  }
0x90: {  	s18 =	sadd.s32 s4, s8;
	[tilespmem:s19+$0xCE60] =	vst.add.f32.msk $0xffff, v4  }
0x91: {  	s15 =	smul.u32 $0x640, s18;
	[tilespmem:s19+$0x3870] =	vst.add.f32.msk $0xffff, v1  }
0x92: {  	[tilespmem:s19+$0x6A70] =	vst.add.f32.msk $0xffff, v1  }
0x93: {  	s18 =	simm.s32 $0x3840;
	s15 =	sadd.s32 s2, s15;
	[tilespmem:s19+$0x9C70] =	vst.add.f32.msk $0xffff, v1  }
0x94: {  	[hbm4b:s15+s3] =	stream.linear.scatter [tilespmem:s18], [sflag:$0x2], $0xC800, $0x38;
	[tilespmem:$0x1C840] =	vst v63  }
0x95: {  	_ =	swait.ge [sflag:s0], $0x2000  }
0x96: {  	[sflag:s0] =	ssyncset.done $0x0  }
0x97: {  	[sflag:s0] =	ssyncadd.s32 $0xFFFFE000  }
0x98: {  	_ =	swait.ge [sflag:s0], $0x1200  }
0x99: {  	[sflag:s0] =	ssyncset.done $0x0  }
0x9a: {  	[sflag:s0] =	ssyncadd.s32 $0xFFFFEE00  }
0x9b: {  	_ =	swait.ge [sflag:s0], $0x2000  }
0x9c: {  	[sflag:s0] =	ssyncset.done $0x0  }
0x9d: {  	[sflag:s0] =	ssyncadd.s32 $0xFFFFE000  }
0x9e: {  	_ =	swait.ge [sflag:s0], $0x1200  }
0x9f: {  	[sflag:s0] =	ssyncset.done $0x0  }
0xa0: {  	[sflag:s0] =	ssyncadd.s32 $0xFFFFEE00  }
0xa1: {  	_ =	swait.ge [sflag:s0], $0x2000  }
0xa2: {  	[sflag:s0] =	ssyncset.done $0x0  }
0xa3: {  	[sflag:s0] =	ssyncadd.s32 $0xFFFFE000  }
0xa4: {  	_ =	swait.ge [sflag:s0], $0x1200  }
0xa5: {  	[sflag:s0] =	ssyncset.done $0x0  }
0xa6: {  	[sflag:s0] =	ssyncadd.s32 $0xFFFFEE00  }
0xa7: {  	_ =	swait.ge [sflag:s0], $0x2000  }
0xa8: {  	[sflag:s0] =	ssyncset.done $0x0  }
0xa9: {  	[sflag:s0] =	ssyncadd.s32 $0xFFFFE000  }
0xaa: {  	p0 =	seq.s32 s11, $0xF;
	_ =	swait.ge [sflag:s0], $0x1200  }
0xab: {  	s8 =	sadd.s32 @!p0 s8, s10;
	[sflag:s0] =	ssyncset.done $0x0  }
0xac: {  	s8 =	smul.u32 @!p0 $0x19, s8;
	s15 =	simm.s32 @!p0 $0x2;
	[sflag:s0] =	ssyncadd.s32 $0xFFFFEE00  }
0xad: {  	_ =	swait.ge @!p0 [sflag:s15], $0xC800  }
0xae: {  	s8 =	sadd.s32 @!p0 s5, s8;
	[sflag:s15] =	ssyncset.done @!p0 $0x0  }
0xaf: {  	s18 =	simm.s32 @!p0 $0x3200;
	[sflag:s15] =	ssyncadd.s32 @!p0 $0xFFFF3800;
	s15 =	simm.s32 @!p0 $0x0  }
0xb0: {  	[tilespmem:s18], [sflag:$0x3] =	stream.linear.gather @!p0 [hbm4b:s8+s15], $0x320, $0x38;
	[tilespmem:$0x1C840] =	vst v63  }
0xb1: {  	s8 =	simm.s32 @!p0 $0x3  }
0xb2: {  	_ =	swait.ge @!p0 [sflag:s8], $0x320  }
0xb3: {  	[sflag:s8] =	ssyncset.done @!p0 $0x0  }
0xb4: {  	s15 =	simm.s32 @!p0 $0x3840;
	[sflag:s8] =	ssyncadd.s32 @!p0 $0xFFFFFCE0;
	s8 =	simm.s32 @!p0 $0x80  }
0xb5: {  	[tilespmem:s15], [sflag:$0x1] =	stream.indirect.gather @!p0 [hbm4b:s6+s8], $0x40, s18, s8, $0xb8;
	[tilespmem:$0x1C840] =	vst v63  }
0xb6: {  	s19 =	simm.s32 @!p0 $0x5840;
	s15 =	simm.s32 @!p0 $0x48;
	s18 =	simm.s32 @!p0 $0x3280  }
0xb7: {  	[tilespmem:s19], [sflag:$0x1] =	stream.indirect.gather @!p0 [hbm4b:s6+s15], $0x40, s18, s15, $0xb8;
	[tilespmem:$0x1C840] =	vst v63  }
0xb8: {  	s18 =	simm.s32 @!p0 $0x32C8;
	s19 =	simm.s32 @!p0 $0x6A40  }
0xb9: {  	[tilespmem:s19], [sflag:$0x1] =	stream.indirect.gather @!p0 [hbm4b:s6+s8], $0x40, s18, s8, $0xb8;
	[tilespmem:$0x1C840] =	vst v63  }
0xba: {  	s18 =	simm.s32 @!p0 $0x3348;
	s19 =	simm.s32 @!p0 $0x8A40  }
0xbb: {  	[tilespmem:s19], [sflag:$0x1] =	stream.indirect.gather @!p0 [hbm4b:s6+s15], $0x40, s18, s15, $0xb8;
	[tilespmem:$0x1C840] =	vst v63  }
0xbc: {  	s18 =	simm.s32 @!p0 $0x3390;
	s19 =	simm.s32 @!p0 $0x9C40  }
0xbd: {  	[tilespmem:s19], [sflag:$0x1] =	stream.indirect.gather @!p0 [hbm4b:s6+s8], $0x40, s18, s8, $0xb8;
	[tilespmem:$0x1C840] =	vst v63  }
0xbe: {  	s18 =	simm.s32 @!p0 $0x3410;
	s19 =	simm.s32 @!p0 $0xBC40  }
0xbf: {  	[tilespmem:s19], [sflag:$0x1] =	stream.indirect.gather @!p0 [hbm4b:s6+s15], $0x40, s18, s15, $0xb8;
	[tilespmem:$0x1C840] =	vst v63  }
0xc0: {  	s18 =	simm.s32 @!p0 $0x3458;
	s19 =	simm.s32 @!p0 $0xCE40  }
0xc1: {  	[tilespmem:s19], [sflag:$0x1] =	stream.indirect.gather @!p0 [hbm4b:s6+s8], $0x40, s18, s8, $0xb8;
	[tilespmem:$0x1C840] =	vst v63  }
0xc2: {  	s8 =	simm.s32 @!p0 $0x34D8;
	s18 =	simm.s32 @!p0 $0xEE40  }
0xc3: {  	[tilespmem:s18], [sflag:$0x1] =	stream.indirect.gather @!p0 [hbm4b:s6+s15], $0x40, s8, s15, $0xb8;
	[tilespmem:$0x1C840] =	vst v63  }
0xc4: {  	s8 =	simm.s32 $0x0  }
0xc5: {  	v0 =	vld [tilespmem:s8+$0x30]  }
0xc6: {  	v1 =	vld [tilespmem:s8+$0x0];
	_ =	sdelay $0x1  }
0xc7: {  	v2 =	vld [tilespmem:s8+$0x10]  }
0xc8: {  	v3 =	vld [tilespmem:s8+$0x20]  }
0xc9: {  	[tilespmem:s8+$0x19670] =	vst.add.f32.msk $0xffff, v0  }
0xca: {  	[tilespmem:s8+$0x10040] =	vst.add.f32.msk $0xffff, v1  }
0xcb: {  	[tilespmem:s8+$0x13240] =	vst.add.f32.msk $0xffff, v1  }
0xcc: {  	[tilespmem:s8+$0x16440] =	vst.add.f32.msk $0xffff, v1  }
0xcd: {  	[tilespmem:s8+$0x19640] =	vst.add.f32.msk $0xffff, v1  }
0xce: {  	[tilespmem:s8+$0x10050] =	vst.add.f32.msk $0xffff, v2  }
0xcf: {  	[tilespmem:s8+$0x13250] =	vst.add.f32.msk $0xffff, v2  }
0xd0: {  	[tilespmem:s8+$0x16450] =	vst.add.f32.msk $0xffff, v2  }
0xd1: {  	[tilespmem:s8+$0x19650] =	vst.add.f32.msk $0xffff, v2  }
0xd2: {  	[tilespmem:s8+$0x10060] =	vst.add.f32.msk $0xffff, v3  }
0xd3: {  	[tilespmem:s8+$0x13260] =	vst.add.f32.msk $0xffff, v3  }
0xd4: {  	[tilespmem:s8+$0x16460] =	vst.add.f32.msk $0xffff, v3  }
0xd5: {  	[tilespmem:s8+$0x19660] =	vst.add.f32.msk $0xffff, v3  }
0xd6: {  	[tilespmem:s8+$0x10070] =	vst.add.f32.msk $0xffff, v0  }
0xd7: {  	s18 =	simm.s32 $0x40;
	s15 =	simm.s32 $0x200;
	[tilespmem:s8+$0x13270] =	vst.add.f32.msk $0xffff, v0  }
.LBB2_5:
0xd8: {  	p0 =	sne.s32 s15, $0xC700;
	v1 =	vld [tilespmem:s18+$0x30]  }
0xd9: {  	v2 =	vld [tilespmem:s18+$0x0]  }
0xda: {  	v3 =	vld [tilespmem:s18+$0x10]  }
0xdb: {  	v4 =	vld [tilespmem:s18+$0x20]  }
0xdc: {  	[tilespmem:s8+$0x16470] =	vst.add.f32.msk $0xffff, v0;
	s8 =	smov.u32 s18  }
0xdd: {  	[tilespmem:s8+$0x19670] =	vst.add.f32.msk $0xffff, v1;
	v0 =	vmov v1  }
0xde: {  	[tilespmem:s8+$0x10040] =	vst.add.f32.msk $0xffff, v2  }
0xdf: {  	[tilespmem:s8+$0x13240] =	vst.add.f32.msk $0xffff, v2  }
0xe0: {  	[tilespmem:s8+$0x16440] =	vst.add.f32.msk $0xffff, v2  }
0xe1: {  	[tilespmem:s8+$0x19640] =	vst.add.f32.msk $0xffff, v2  }
0xe2: {  	[tilespmem:s8+$0x10050] =	vst.add.f32.msk $0xffff, v3  }
0xe3: {  	[tilespmem:s8+$0x13250] =	vst.add.f32.msk $0xffff, v3  }
0xe4: {  	[tilespmem:s8+$0x16450] =	vst.add.f32.msk $0xffff, v3  }
0xe5: {  	[tilespmem:s8+$0x19650] =	vst.add.f32.msk $0xffff, v3  }
0xe6: {  	[tilespmem:s8+$0x10060] =	vst.add.f32.msk $0xffff, v4  }
.Ltmp1:
0xe7: {  	[tilespmem:s8+$0x13260] =	vst.add.f32.msk $0xffff, v4;
	(pc) =	sbr.rel @p0 .LBB2_5-.Ltmp1, $4  }
0xe8: {  	[tilespmem:s8+$0x16460] =	vst.add.f32.msk $0xffff, v4  }
0xe9: {  	[tilespmem:s8+$0x19660] =	vst.add.f32.msk $0xffff, v4  }
0xea: {  	[tilespmem:s8+$0x10070] =	vst.add.f32.msk $0xffff, v0  }
0xeb: {  	s18 =	sshra.s32 s15, $0x2;
	s15 =	sadd.s32 $0x100, s15;
	[tilespmem:s8+$0x13270] =	vst.add.f32.msk $0xffff, v0  }
0xec: {  	v1 =	vld [tilespmem:s18+$0x30]  }
0xed: {  	v2 =	vld [tilespmem:s18+$0x0]  }
0xee: {  	v3 =	vld [tilespmem:s18+$0x10]  }
0xef: {  	v4 =	vld [tilespmem:s18+$0x20]  }
0xf0: {  	[tilespmem:s8+$0x16470] =	vst.add.f32.msk $0xffff, v0  }
0xf1: {  	[tilespmem:s18+$0x19670] =	vst.add.f32.msk $0xffff, v1  }
0xf2: {  	[tilespmem:s18+$0x10040] =	vst.add.f32.msk $0xffff, v2  }
0xf3: {  	[tilespmem:s18+$0x13240] =	vst.add.f32.msk $0xffff, v2  }
0xf4: {  	[tilespmem:s18+$0x16440] =	vst.add.f32.msk $0xffff, v2  }
0xf5: {  	[tilespmem:s18+$0x19640] =	vst.add.f32.msk $0xffff, v2  }
0xf6: {  	[tilespmem:s18+$0x10050] =	vst.add.f32.msk $0xffff, v3  }
0xf7: {  	[tilespmem:s18+$0x13250] =	vst.add.f32.msk $0xffff, v3  }
0xf8: {  	[tilespmem:s18+$0x16450] =	vst.add.f32.msk $0xffff, v3  }
0xf9: {  	[tilespmem:s18+$0x19650] =	vst.add.f32.msk $0xffff, v3  }
0xfa: {  	[tilespmem:s18+$0x10060] =	vst.add.f32.msk $0xffff, v4  }
0xfb: {  	s11 =	sadd.s32 $0x1, s11;
	[tilespmem:s18+$0x13260] =	vst.add.f32.msk $0xffff, v4  }
0xfc: {  	p0 =	sne.s32 s11, $0x10;
	[tilespmem:s18+$0x16460] =	vst.add.f32.msk $0xffff, v4  }
.Ltmp2:
0xfd: {  	[tilespmem:s18+$0x19660] =	vst.add.f32.msk $0xffff, v4;
	(pc) =	sbr.rel @p0 .LBB2_2-.Ltmp2, $4  }
0xfe: {  	s19 =	smul.u32 $0x640, s13;
	[tilespmem:s18+$0x10070] =	vst.add.f32.msk $0xffff, v1  }
0xff: {  	[tilespmem:s18+$0x13270] =	vst.add.f32.msk $0xffff, v1  }
0x100: {  	s8 =	sadd.s32 s2, s19;
	[tilespmem:s18+$0x16470] =	vst.add.f32.msk $0xffff, v1  }
0x101: {  	[hbm4b:s8+s3] =	stream.linear.scatter [tilespmem:s17], [sflag:$0x2], $0xC800, $0x38;
	[tilespmem:$0x1C840] =	vst v63  }
0x102: {  	s11 =	simm.s32 $0x2  }
0x103: {  	_ =	swait.ge [sflag:s11], $0xC800  }
0x104: {  	[sflag:s11] =	ssyncset.done $0x0  }
0x105: {  	[sflag:s11] =	ssyncadd.s32 $0xFFFF3800  }
0x106: {  	_ =	swait.ge [sflag:s11], $0xC800  }
0x107: {  	s13 =	rddreg [dreg:$0x6]  }
0x108: {  	s8 =	rddreg [dreg:$0x5];
	s13 =	sadd.s32 $0x1, s13  }
0x109: {  	p0 =	sne.s32 s13, s8  }
.Ltmp3:
0x10a: {  	_ = 	snop;
	(pc) =	sbr.rel @p0 .LBB2_1-.Ltmp3, $3  }
0x10b: {  	_ =	sdelay $0x1  }
0x10c: {  	[sflag:s11] =	ssyncset.done $0x0  }
0x10d: {  	[sflag:s11] =	ssyncadd.s32 $0xFFFF3800  }
0x10e: {  	_ =	sfence.sel $0x180000  }
0x10f: {  	[bflag:$0x0] =	sbarrier.arrive $0xFFFF  }
0x110: {  	_ =	strace $0x90000047  }
0x111: {  	s0 =	stileid.u32;
	[bflag:$0x2] =	sbarrier.arrive $0xFFFF  }
0x112: {  	p0 =	sne.s32 s0, $0x0;
	s0 =	rddreg [dreg:$0x2]  }
0x113: {  	s0 =	sadd.s32 @!p0 $0x100000, s0  }
0x114: {  	[sflag:s0] =	ssyncadd.tile.s32 @!p0 $0x1;
	_ =	shalt  }
.Lfunc_end2:
_tile_overlayer_lowered:
.L_overlay_start_2:
0x115: {  	(tag) =	ssettag $0x2  }
0x116: {  	s0 =	rddreg [dreg:$0x0];
	s2 =	stileid.u32  }
0x117: {  	s1 =	rddreg [dreg:$0x1];
	p0 =	sne.s32 s2, $0x0  }
0x118: {  	s3 =	rddreg [dreg:$0x2];
	[bflag:$0x3] =	sbarrier.arrive $0xFFFF;
	s2 =	simm.s32 @!p0 $0x1C03  }
0x119: {  	[timem:s3], [sflag:s2] =	dma.local @!p0 [hbm:s0], s1  }
0x11a: {  	s0 =	simm.s32 @!p0 $0x3  }
0x11b: {  	_ =	swait.ge @!p0 [sflag:s0], s1  }
0x11c: {  	s1 =	ssub.s32 @!p0 $0x0, s1;
	[sflag:s0] =	ssyncset.done @!p0 $0x0  }
0x11d: {  	[sflag:s0] =	ssyncadd.s32 @!p0 s1  }
0x11e: {  	[bflag:$0x3] =	sbarrier.arrive $0xFFFF  }
0x11f: {  	_ =	shalt  }

// kernel: sparse-core-data-format-call.cloned.1.call-start
scs
called_computation_lowered:
.L_overlay_start_0:
0x0: {  	s2 =	sld [smem:$0x3FD9]  }
0x1: {  	s3 =	sld [smem:$0x3FFE];
	_ =	sdelay $0x1  }
0x2: {  	s1 =	srdreg.scid  }
0x3: {  	s0 =	sand.u32 $0x1, s1  }
0x4: {  	s18 =	sshll.u32 s0, $0xA;
	s2 =	sadd.s32 s3, s2  }
0x5: {  	s2 =	sadd.s32 s2, s18  }
0x6: {  	[smem:$0x3FC5] =	sst s2  }
0x7: {  	_ = 	snop  }
0x8: {  	s2 =	sld [smem:$0x3FD0];
	(tm) =	ssettm $0x1  }
0x9: {  	s19 =	sld [smem:$0x3FFB];
	_ =	sdelay $0x3  }
0xa: {  	_ =	strace s19  }
0xb: {  	s3 =	sld [smem:$0x3FFC];
	_ =	sdelay $0x3  }
0xc: {  	_ =	strace s3  }
0xd: {  	s3 =	sld [smem:$0x3FFD];
	_ =	sdelay $0x3  }
0xe: {  	_ =	strace s3  }
0xf: {  	_ =	strace $0x8FFFFFFF  }
0x10: {  	s20 =	sld [smem:$0x3FDB];
	_ =	sdelay $0x1  }
0x11: {  	s4 =	simm.s32 $_scs_section_size  }
0x12: {  	s5 =	simm.s32 $_size__tile_overlayer_lowered;
	s6 =	simm.s32 $_tile_overlayer_lowered  }
0x13: {  	s23 =	simm.s32 $0x1BFF;
	s22 =	sshll.u32 s6, $0x1;
	s3 =	sadd.s32 s4, s20  }
0x14: {  	s7 =	simm.s32 $0x0;
	s21 =	sshll.u32 s5, $0x1;
	s5 =	sadd.s32 s22, s3  }
0x15: {  	[timem:s7], [sflag:s23] =	dma.local [hbm:s5], s21  }
0x16: {  	_ =	swait.ge [sflag:s23], s21  }
0x17: {  	s4 =	ssub.s32 $0x0, s21;
	[sflag:s23] =	ssyncset.done $0x0  }
0x18: {  	[sflag:s23] =	ssyncadd.s32 s4;
	_ =	sdelay $0x1  }
0x19: {  	s24 =	simm.s32 $0x1B8B  }
0x1a: {  	_ =	swait.ge [sflag:s24], $0x1  }
0x1b: {  	[sflag:s24] =	ssyncset.done $0x0  }
0x1c: {  	s26 =	simm.s32 $0x1B8E;
	s25 =	sld [smem:$0x3FFE];
	[sflag:s24] =	ssyncadd.s32 $0xFFFFFFFF  }
0x1d: {  	s27 =	simm.s32 $execute0_lowered;
	[smem:$0x3FD2] =	sst s26  }
0x1e: {  	s5 =	sshll.u32 s27, $0x1;
	_ =	strace $0x80000049;
	[dreg:$0x1] =	wrdreg $0xFFFFFFFF  }
0x1f: {  	s28 =	simm.s32 $_size_execute0_lowered;
	s3 =	sadd.s32 s3, s5;
	[dreg:$0x0] =	wrdreg $0x0  }
0x20: {  	s5 =	sshll.u32 s28, $0x1;
	[dreg:$0x2] =	wrdreg s3  }
0x21: {  	[dreg:$0x3] =	wrdreg s5  }
0x22: {  	[dreg:$0x4] =	wrdreg $0xC0  }
0x23: {  	_ =	task [dreg:s7], $0x5FFFF  }
0x24: {  	[dreg:$0x1] =	wrdreg $0xFFFFFFFF  }
0x25: {  	[dreg:$0x0] =	wrdreg $0x60  }
0x26: {  	[dreg:$0x2] =	wrdreg s25  }
0x27: {  	[dreg:$0x3] =	wrdreg s2  }
0x28: {  	[dreg:$0x4] =	wrdreg $0x9  }
0x29: {  	_ =	task.clear_ibuf [dreg:s7], $0x5FFFF;
	_ =	strace $0x90000049  }
0x2a: {  	s29 =	simm.s32 $0x9;
	_ =	strace $0x8000004B  }
0x2b: {  	_ =	swait.ge [sflag:s29], $0x1  }
0x2c: {  	[sflag:s29] =	ssyncadd.s32 $0xFFFFFFFF  }
0x2d: {  	_ =	strace $0x9000004B  }
0x2e: {  	_ =	sfence  }
0x2f: {  	s30 =	sld [smem:$0x0];
	_ =	sdelay $0x2  }
0x30: {  	s31 =	sshll.u32 s1, $0xD;
	s1 =	sshrl.u32 s1, $0x2  }
0x31: {  	s3 =	sand.u32 $0x4000, s31;
	s1 =	sadd.s32 s1, s30  }
0x32: {  	s0 =	sor.u32 s3, s0;
	s1 =	sshll.u32 s1, $0x11  }
0x33: {  	s0 =	sor.u32 s1, s0  }
0x34: {  	s0 =	sadd.s32 $0x8F2B, s0  }
0x35: {  	[sflag:s0] =	ssyncadd.remote.s32 $0x1  }
0x36: {  	_ =	sfence.sel $0xFFFF  }
0x37: {  	[dreg:$0x0] =	wrdreg $0xFFFFFFFF;
	(pc) =	sbr.abs _section_cstart, $3  }
0x38: {  	[dreg:$0x1] =	wrdreg $0xFFFFFFFF  }
0x39: {  	_ =	task.clear_ibuf [dreg:s7], $0x2FFFF;
	_ =	strace $0x9FFFFFFF  }
0x3a: {  	(tm) =	ssettm $0x7FFFFFFF  }
0x3b: {  	_ =	shalt  }
tec
execute0_lowered:
.L_overlay_start_1:
0x0: {  	(tag) =	ssettag $0x1  }
0x1: {  	s0 =	srdreg.scid  }
0x2: {  	s1 =	sshll.u32 s0, $0x4  }
0x3: {  	s0 =	stileid.u32;
	s1 =	sand.u32 $0x10, s1  }
0x4: {  	s1 =	sor.u32 s0, s1  }
0x5: {  	s6 =	rddreg [dreg:$0x0];
	s4 =	simm.s32 $0x1;
	s2 =	sshll.u32 s1, $0x7  }
0x6: {  	s7 =	simm.s32 $0x2;
	s12 =	simm.s32 $0x0;
	s1 =	ssub.s32 $0x1000, s2  }
0x7: {  	s8 =	simm.s32 $0x8000;
	s13 =	simm.s32 $0x0;
	s3 =	sand.u32 $0xF80, s1  }
0x8: {  	s9 =	simm.s32 $0x0;
	s5 =	sshrl.u32 s1, $0xC;
	p0 =	sne.s32 s3, $0x0  }
.Ltmp0:
0x9: {  	s1 =	rddreg [dreg:$0x2];
	s4 =	simm.s32 @!p0 $0x0;
	(pc) =	sbr.rel .LBB1_1-.Ltmp0, $4  }
0xa: {  	s11 =	simm.s32 $0x0;
	s3 =	rddreg [dreg:$0x1];
	s5 =	sadd.s32 s4, s5  }
0xb: {  	_ =	strace $0x8000004A;
	s4 =	simm.s32 $0x1;
	s5 =	smul.u32 $0xC8, s5  }
0xc: {  	s6 =	sadd.s32 $0xC00, s6;
	s10 =	smov.u32 s2;
	[sflag:s4] =	ssyncpa.u1 $0x0  }
0xd: {  	p0 =	por $0x0, $0x0;
	[sflag:s7] =	ssyncpa.u1 $0x0;
	s7 =	sor.u32 $0x1, s5  }
.LBB1_4:
0xe: {  	s16 =	sshll.u32 s13, $0x3;
	s17 =	sand.u32 $0x78, s13  }
0xf: {  	s30 =	sand.u32 $0x7E00, s13;
	s12 =	sshll.u32 s12, $0xF;
	s16 =	sand.u32 $0xC00, s16  }
0x10: {  	[tilespmem:s15+$0x810 ss:$0x81] =	vst.msk $0xffff, v2;
	s31 =	sand.u32 $0x7, s13;
	s16 =	sor.u32 s17, s16;
	s17 =	sadd.s32 s3, s30  }
0x11: {  	[tilespmem:s15+$0x1020 ss:$0x81] =	vst.msk $0xffff, v0;
	s13 =	sshll.u32 s31, $0x12;
	s12 =	sadd.s32 s12, s17;
	s16 =	sshrl.u32 s16, $0x3  }
0x12: {  	[tilespmem:s15+$0x0 ss:$0x81] =	vst.msk $0xffff, v1;
	s13 =	sor.u32 $0x400, s13;
	s12 =	sadd.s32 s16, s12  }
0x13: {  	[hbm4b:s12+s13] =	stream.strided.scatter [tilespmem:s14], [sflag:$0x2], $0x2000, s8, s13, $0x20;
	[tilespmem:$0x8080] =	vst v63  }
.LBB1_5:
0x14: {  	s14 =	sadd.s32 $0x1, s9  }
0x15: {  	s12 =	sadd.s32 $0x1000, s10;
	s16 =	smov.u32 s10;
	p2 =	sgt.s32 s14, $0xC7  }
0x16: {  	s16 =	smov.u32 @p2 s12  }
0x17: {  	s14 =	simm.s32 @p2 $0x0;
	p2 =	sgt.s32 s16, $0xFFF  }
0x18: {  	s16 =	smov.u32 @p2 s2;
	p2 =	sne.s32 s11, s7  }
.Ltmp1:
0x19: {  	p1 =	slt.u32 s11, $0x2;
	(pc) =	sbr.rel @!p2 .LBB1_6-.Ltmp1, $4  }
0x1a: {  	s15 =	simm.s32 @!p1 $0x2  }
0x1b: {  	s13 =	smov.u32 s10;
	p0 =	por !p0, !p0;
	_ =	swait.ge @!p1 [sflag:s15], $0x2000  }
0x1c: {  	s12 =	smov.u32 s9;
	[sflag:s15] =	ssyncset.done @!p1 $0x0;
	s9 =	smov.u32 s14  }
0x1d: {  	s11 =	sadd.s32 $0x1, s11;
	[sflag:s15] =	ssyncadd.s32 @!p1 $0xFFFFE000;
	s10 =	smov.u32 s16  }
.LBB1_1:
0x1e: {  	p1 =	sge.u32 s11, s5  }
0x1f: {  	s14 =	sand.u32 @!p1 $0x1FFFFFF, s9  }
0x20: {  	s15 =	smulhi.u32 @!p1 $0x147AE15, s14;
	_ =	sdelay $0x1  }
0x21: {  	s15 =	smul.u32 @!p1 $0xC8, s15  }
0x22: {  	s16 =	sxor.u32 @!p1 $0xFFFFFFFF, s11;
	s17 =	smul.u32 @!p1 $0xC80, s10  }
0x23: {  	s31 =	sadd.s32 $0xFFFFFFFF, s11;
	s16 =	sshll.u32 @!p1 s16, $0xD;
	s14 =	ssub.s32 @!p1 s14, s15  }
0x24: {  	s15 =	sand.u32 @!p1 $0x2000, s16;
	s16 =	sadd.s32 @!p1 s6, s17;
	s14 =	sshll.u32 @!p1 s14, $0x4  }
0x25: {  	s17 =	simm.s32 @!p1 $0x6400;
	s14 =	sadd.s32 @!p1 s14, s16;
	s16 =	simm.s32 @!p1 $0x40  }
0x26: {  	[tilespmem:s15], [sflag:$0x1] =	stream.strided.gather @!p1 [hbm4b:s14+s16], $0x2000, s17, s16, $0x38;
	[tilespmem:$0x8080] =	vst v63  }
0x27: {  	p1 =	sge.u32 s31, s5  }
.Ltmp2:
0x28: {  	_ = 	snop;
	(pc) =	sbr.rel @p1 .LBB1_5-.Ltmp2, $1  }
0x29: {  	_ =	sdelay $0x3  }
0x2a: {  	s14 =	simm.s32 $0x1  }
0x2b: {  	_ =	swait.ge [sflag:s4], $0x2000;
	s14 =	simm.s32 @!p0 $0x0  }
0x2c: {  	[sflag:s4] =	ssyncset.done $0x0;
	s15 =	sshll.u32 s14, $0xD  }
0x2d: {  	[sflag:s4] =	ssyncadd.s32 $0xFFFFE000;
	s18 =	sor.u32 $0x20, s15  }
0x2e: {  	s14 =	smul.u32 $0x8100, s14;
	v3 =	vld [tilespmem:s18+$0x10]  }
0x2f: {  	s30 =	sand.u32 $0x1, s11;
	v2 =	vld [tilespmem:s18+$0xFFFFFFF0]  }
0x30: {  	s15 =	smul.u32 $0x8100, s30;
	s14 =	sshrl.u32 s14, $0x2;
	v0 =	vld [tilespmem:s18+$0x0]  }
0x31: {  	v1 =	vld [tilespmem:s18+$0xFFFFFFE0];
	s16 =	sor.u32 $0x4000, s14  }
0x32: {  	s31 =	sshrl.u32 s15, $0x2;
	s15 =	sadd.s32 $0x0, s16  }
0x33: {  	s17 =	simm.s32 $0x4;
	s18 =	sadd.s32 $0x40, s18;
	s14 =	sor.u32 $0x4000, s31;
	[tilespmem:s15+$0x1830 ss:$0x81] =	vst.msk $0xffff, v3  }
.LBB1_3:
0x34: {  	v3 =	vld [tilespmem:s18+$0x10];
	p1 =	sne.s32 s17, $0x1FC;
	[tilespmem:s15+$0x810 ss:$0x81] =	vst.msk $0xffff, v2;
	s19 =	smov.u32 s17;
	s17 =	sadd.s32 $0x4, s17  }
.Ltmp3:
0x35: {  	v2 =	vld [tilespmem:s18+$0xFFFFFFF0];
	[tilespmem:s15+$0x1020 ss:$0x81] =	vst.msk $0xffff, v0;
	(pc) =	sbr.rel @p1 .LBB1_3-.Ltmp3, $4  }
0x36: {  	v0 =	vld [tilespmem:s18+$0x0];
	[tilespmem:s15+$0x0 ss:$0x81] =	vst.msk $0xffff, v1  }
0x37: {  	s15 =	sshra.s32 s19, $0x2;
	v1 =	vld [tilespmem:s18+$0xFFFFFFE0]  }
0x38: {  	s15 =	sadd.s32 s15, s16  }
0x39: {  	s18 =	sadd.s32 $0x40, s18;
	[tilespmem:s15+$0x1830 ss:$0x81] =	vst.msk $0xffff, v3  }
.Ltmp4:
0x3a: {  	_ = 	snop;
	(pc) =	sbr.rel .LBB1_4-.Ltmp4, $1  }
0x3b: {  	_ =	sdelay $0x3  }
.LBB1_6:
0x3c: {  	_ =	sfence.sel $0x180000  }
0x3d: {  	s2 =	simm.s32 $0x1;
	[bflag:$0x0] =	sbarrier.arrive $0xFFFF  }
0x3e: {  	s31 =	simm.s32 $0x2;
	[sflag:s2] =	ssyncpa.u1 $0x1  }
0x3f: {  	[sflag:s31] =	ssyncpa.u1 $0x1  }
0x40: {  	p0 =	sne.s32 s0, $0x0;
	_ =	strace $0x9000004A  }
0x41: {  	s0 =	sadd.s32 @!p0 $0x100000, s1;
	[bflag:$0x2] =	sbarrier.arrive $0xFFFF  }
0x42: {  	[sflag:s0] =	ssyncadd.tile.s32 @!p0 $0x1;
	_ =	shalt  }
.Lfunc_end1:
_tile_overlayer_lowered:
.L_overlay_start_2:
0x43: {  	(tag) =	ssettag $0x2  }
0x44: {  	s0 =	rddreg [dreg:$0x0];
	s2 =	stileid.u32  }
0x45: {  	s1 =	rddreg [dreg:$0x1];
	p0 =	sne.s32 s2, $0x0  }
0x46: {  	s3 =	rddreg [dreg:$0x2];
	[bflag:$0x3] =	sbarrier.arrive $0xFFFF;
	s2 =	simm.s32 @!p0 $0x1C01  }
0x47: {  	[timem:s3], [sflag:s2] =	dma.local @!p0 [hbm:s0], s1  }
0x48: {  	s0 =	simm.s32 @!p0 $0x1  }
0x49: {  	_ =	swait.ge @!p0 [sflag:s0], s1  }
0x4a: {  	s1 =	ssub.s32 @!p0 $0x0, s1;
	[sflag:s0] =	ssyncset.done @!p0 $0x0  }
0x4b: {  	[sflag:s0] =	ssyncadd.s32 @!p0 s1  }
0x4c: {  	[bflag:$0x3] =	sbarrier.arrive $0xFFFF  }
0x4d: {  	_ =	shalt  }

</sc_bundles>
